<compile_context>
chip_gen: v7x
topology: tpu7x:2x2x1
jax: 0.10.2.dev20260603
libtpu: 0.0.44.dev20260713+nightly
codegen_flags: <defaults>
</compile_context>

<pallas_src>
import functools

import numpy as np
import jax
import jax.numpy as jnp
from jax import lax
from jax.experimental import pallas as pl
from jax.experimental.pallas import tpu as pltpu
from jax.experimental.pallas import tpu_sc as plsc

_B, _P, _F = 4096, 10, 7
_MIN_SCORE = 0.3

_INFO = plsc.get_sparse_core_info()
_NC, _NS, _L = _INFO.num_cores, _INFO.num_subcores, _INFO.num_lanes
_NW = _NC * _NS
_RW = _B // _NW
_CB = 16
_NCH = _RW // _CB
_NREC = _CB * _P

_NI = _NREC * 3
_NX = _NREC * 2
_NCF = _NREC


def _rc_tables(n_feat):
    j = np.arange(_NREC * n_feat, dtype=np.int32)
    return j // n_feat, j % n_feat


_IRT, _ICT = _rc_tables(3)
_XRT, _XCT = _rc_tables(2)
_CRT, _ = _rc_tables(1)
_CBT, _CPT = _CRT // _P, _CRT % _P


@functools.partial(
    pl.kernel,
    mesh=plsc.VectorSubcoreMesh(core_axis_name="c", subcore_axis_name="s"),
    out_type=jax.ShapeDtypeStruct((_B, _P, _F), jnp.float32),
    compiler_params=pltpu.CompilerParams(needs_layout_passes=False),
    scratch_types=[
        pltpu.VMEM((_NREC, 3), jnp.float32),
        pltpu.VMEM((_CB, _P), jnp.float32),
        pltpu.VMEM((_NREC, 2), jnp.float32),
        pltpu.VMEM((_NREC, _F), jnp.float32),
        pltpu.VMEM((_NI,), jnp.int32),
        pltpu.VMEM((_NI,), jnp.int32),
        pltpu.VMEM((_NX,), jnp.int32),
        pltpu.VMEM((_NX,), jnp.int32),
        pltpu.VMEM((_NCF,), jnp.int32),
        pltpu.VMEM((_NCF,), jnp.int32),
    ],
)
def _sc_assemble(idx_hbm, conf_hbm, bbox_hbm,
                 ir_hbm, ic_hbm, xr_hbm, xc_hbm, cb_hbm, cp_hbm, out_hbm,
                 idx_v, conf_v, bbox_v, out_v, ir, ic, xr, xc, cb, cp):
    wid = lax.axis_index("s") * _NC + lax.axis_index("c")
    pltpu.sync_copy(ir_hbm, ir)
    pltpu.sync_copy(ic_hbm, ic)
    pltpu.sync_copy(xr_hbm, xr)
    pltpu.sync_copy(xc_hbm, xc)
    pltpu.sync_copy(cb_hbm, cb)
    pltpu.sync_copy(cp_hbm, cp)

    five = jnp.full((_L,), 5, jnp.int32)
    three = jnp.full((_L,), 3, jnp.int32)
    four = jnp.full((_L,), 4, jnp.int32)

    def chunk_step(ch, carry):
        rows = pl.ds(wid * _RW + ch * _CB, _CB)
        pltpu.sync_copy(idx_hbm.at[rows], idx_v.reshape(_CB, _P, 3))
        pltpu.sync_copy(conf_hbm.at[rows], conf_v)
        pltpu.sync_copy(bbox_hbm.at[rows], bbox_v.reshape(_CB, _P, 2))
        for t in range(_NI // _L):
            o = pl.ds(t * _L, _L)
            r = ir[o]
            c = ic[o]
            plsc.store_scatter(out_v, [r, c],
                               plsc.load_gather(idx_v, [r, c]))
        for t in range(_NX // _L):
            o = pl.ds(t * _L, _L)
            r = xr[o]
            c = xc[o]
            plsc.store_scatter(out_v, [r, c + five],
                               plsc.load_gather(bbox_v, [r, c]))
        for t in range(_NCF // _L):
            o = pl.ds(t * _L, _L)
            b = cb[o]
            p = cp[o]
            r = b * _P + p
            cvals = plsc.load_gather(conf_v, [b, p])
            m = jnp.where(cvals > _MIN_SCORE, jnp.float32(0.0),
                          jnp.float32(-1.0))
            plsc.store_scatter(out_v, [r, four], cvals)
            plsc.store_scatter(out_v, [r, three], m)
        pltpu.sync_copy(out_v.reshape(_CB, _P, _F), out_hbm.at[rows])
        return carry

    lax.fori_loop(0, _NCH, chunk_step, 0)


def kernel(topk_index, topk_confs, match_bbox_preds, meta):
    del meta
    return _sc_assemble(
        topk_index, topk_confs, match_bbox_preds,
        jnp.asarray(_IRT), jnp.asarray(_ICT),
        jnp.asarray(_XRT), jnp.asarray(_XCT),
        jnp.asarray(_CBT), jnp.asarray(_CPT),
    )

# --- scband reference (transcript-rebuilt; emitter-appended) ---
"""Pipeline reference for scband-proposal-layer-26508538151745 (READ-ONLY COPY).

The authoritative reference and input builder live on the scoring server;
editing this copy changes nothing except your own understanding.
"""

import jax, jax.numpy as jnp
import numpy as np

MAX_PEOPLE = 10
MIN_SCORE = 0.3

def setup_inputs(seed: int = 0) -> dict:
    key = jax.random.key(seed)
    k1, k2, k3 = jax.random.split(key, 3)
    B, P = 4096, MAX_PEOPLE
    topk_index = jax.random.uniform(k1, (B, P, 3), dtype=jnp.float32)
    topk_confs = jax.random.uniform(k2, (B, P), dtype=jnp.float32)
    match_bbox_preds = jax.random.uniform(k3, (B, P, 2), dtype=jnp.float32)
    meta = jnp.zeros((1,), dtype=jnp.int32)
    return {"topk_index": topk_index, "topk_confs": topk_confs, "match_bbox_preds": match_bbox_preds, "meta": meta}

def reference(topk_index, topk_confs, match_bbox_preds, meta):
    # Inference path of ProposalLayer.forward (module in eval mode; meta unused).
    B, P = topk_confs.shape
    proposal_centers = jnp.zeros((B, P, 7), dtype=jnp.float32)
    proposal_centers = proposal_centers.at[:, :, 0:3].set(topk_index)
    proposal_centers = proposal_centers.at[:, :, 4].set(topk_confs)
    proposal_centers = proposal_centers.at[:, :, 3].set((topk_confs > MIN_SCORE).astype(jnp.float32) - 1.0)
    proposal_centers = proposal_centers.at[:, :, 5:7].set(match_bbox_preds)
    return proposal_centers

if __name__ == "__main__":
    import jax
    _d = setup_inputs()
    print(jax.jit(kernel)(*tuple(_d.values())))

</pallas_src>

<mosaic_0001>
#map = affine_map<(d0, d1) -> (0, 0, 0)>
#map1 = affine_map<(d0, d1) -> (0, 0)>
#map2 = affine_map<(d0, d1) -> (0)>
module attributes {stable_mosaic.version = 14 : i64} {
  func.func @_sc_assemble(%arg0: i32, %arg1: i32, %arg2: memref<4096x10x3xf32, #tpu.memory_space<hbm>>, %arg3: memref<4096x10xf32, #tpu.memory_space<hbm>>, %arg4: memref<4096x10x2xf32, #tpu.memory_space<hbm>>, %arg5: memref<480xi32, #tpu.memory_space<hbm>>, %arg6: memref<480xi32, #tpu.memory_space<hbm>>, %arg7: memref<320xi32, #tpu.memory_space<hbm>>, %arg8: memref<320xi32, #tpu.memory_space<hbm>>, %arg9: memref<160xi32, #tpu.memory_space<hbm>>, %arg10: memref<160xi32, #tpu.memory_space<hbm>>, %arg11: memref<4096x10x7xf32, #tpu.memory_space<hbm>>, %arg12: memref<160x3xf32, #tpu.memory_space<vmem>>, %arg13: memref<16x10xf32, #tpu.memory_space<vmem>>, %arg14: memref<160x2xf32, #tpu.memory_space<vmem>>, %arg15: memref<160x7xf32, #tpu.memory_space<vmem>>, %arg16: memref<480xi32, #tpu.memory_space<vmem>>, %arg17: memref<480xi32, #tpu.memory_space<vmem>>, %arg18: memref<320xi32, #tpu.memory_space<vmem>>, %arg19: memref<320xi32, #tpu.memory_space<vmem>>, %arg20: memref<160xi32, #tpu.memory_space<vmem>>, %arg21: memref<160xi32, #tpu.memory_space<vmem>>) attributes {dimension_semantics = [#tpu.dimension_semantics<core_parallel>, #tpu.dimension_semantics<subcore_parallel>], iteration_bounds = array<i64: 2, 16>, scalar_prefetch = 0 : i64, scratch_operands = 10 : i64, tpu.core_type = #tpu.core_type<sc_vector_subcore>, window_params = [{transform_indices = #map}, {transform_indices = #map1}, {transform_indices = #map}, {transform_indices = #map2}, {transform_indices = #map2}, {transform_indices = #map2}, {transform_indices = #map2}, {transform_indices = #map2}, {transform_indices = #map2}, {transform_indices = #map}]} {
    %mul3A = arith.constant 2 : i32
    %mul3A_0 = arith.muli %arg1, %mul3A : i32
    %add3A = arith.addi %mul3A_0, %arg0 : i32
    "tpu.region"() ({
      %run_scoped3A = tpu.sem_alloc : memref<!tpu.dma_semaphore, #tpu.memory_space<semaphore_mem>>
      tpu.enqueue_dma source(%arg5 : memref<480xi32, #tpu.memory_space<hbm>>) target(%arg16 : memref<480xi32, #tpu.memory_space<vmem>>) target_semaphore(%run_scoped3A : memref<!tpu.dma_semaphore, #tpu.memory_space<semaphore_mem>>)
      tpu.wait_dma2 semaphore(%run_scoped3A : memref<!tpu.dma_semaphore, #tpu.memory_space<semaphore_mem>>) src(%arg5 : memref<480xi32, #tpu.memory_space<hbm>>) dst(%arg16 : memref<480xi32, #tpu.memory_space<vmem>>)
      tpu.yield
    }) : () -> ()
    "tpu.region"() ({
      %run_scoped3A = tpu.sem_alloc : memref<!tpu.dma_semaphore, #tpu.memory_space<semaphore_mem>>
      tpu.enqueue_dma source(%arg6 : memref<480xi32, #tpu.memory_space<hbm>>) target(%arg17 : memref<480xi32, #tpu.memory_space<vmem>>) target_semaphore(%run_scoped3A : memref<!tpu.dma_semaphore, #tpu.memory_space<semaphore_mem>>)
      tpu.wait_dma2 semaphore(%run_scoped3A : memref<!tpu.dma_semaphore, #tpu.memory_space<semaphore_mem>>) src(%arg6 : memref<480xi32, #tpu.memory_space<hbm>>) dst(%arg17 : memref<480xi32, #tpu.memory_space<vmem>>)
      tpu.yield
    }) : () -> ()
    "tpu.region"() ({
      %run_scoped3A = tpu.sem_alloc : memref<!tpu.dma_semaphore, #tpu.memory_space<semaphore_mem>>
      tpu.enqueue_dma source(%arg7 : memref<320xi32, #tpu.memory_space<hbm>>) target(%arg18 : memref<320xi32, #tpu.memory_space<vmem>>) target_semaphore(%run_scoped3A : memref<!tpu.dma_semaphore, #tpu.memory_space<semaphore_mem>>)
      tpu.wait_dma2 semaphore(%run_scoped3A : memref<!tpu.dma_semaphore, #tpu.memory_space<semaphore_mem>>) src(%arg7 : memref<320xi32, #tpu.memory_space<hbm>>) dst(%arg18 : memref<320xi32, #tpu.memory_space<vmem>>)
      tpu.yield
    }) : () -> ()
    "tpu.region"() ({
      %run_scoped3A = tpu.sem_alloc : memref<!tpu.dma_semaphore, #tpu.memory_space<semaphore_mem>>
      tpu.enqueue_dma source(%arg8 : memref<320xi32, #tpu.memory_space<hbm>>) target(%arg19 : memref<320xi32, #tpu.memory_space<vmem>>) target_semaphore(%run_scoped3A : memref<!tpu.dma_semaphore, #tpu.memory_space<semaphore_mem>>)
      tpu.wait_dma2 semaphore(%run_scoped3A : memref<!tpu.dma_semaphore, #tpu.memory_space<semaphore_mem>>) src(%arg8 : memref<320xi32, #tpu.memory_space<hbm>>) dst(%arg19 : memref<320xi32, #tpu.memory_space<vmem>>)
      tpu.yield
    }) : () -> ()
    "tpu.region"() ({
      %run_scoped3A = tpu.sem_alloc : memref<!tpu.dma_semaphore, #tpu.memory_space<semaphore_mem>>
      tpu.enqueue_dma source(%arg9 : memref<160xi32, #tpu.memory_space<hbm>>) target(%arg20 : memref<160xi32, #tpu.memory_space<vmem>>) target_semaphore(%run_scoped3A : memref<!tpu.dma_semaphore, #tpu.memory_space<semaphore_mem>>)
      tpu.wait_dma2 semaphore(%run_scoped3A : memref<!tpu.dma_semaphore, #tpu.memory_space<semaphore_mem>>) src(%arg9 : memref<160xi32, #tpu.memory_space<hbm>>) dst(%arg20 : memref<160xi32, #tpu.memory_space<vmem>>)
      tpu.yield
    }) : () -> ()
    "tpu.region"() ({
      %run_scoped3A = tpu.sem_alloc : memref<!tpu.dma_semaphore, #tpu.memory_space<semaphore_mem>>
      tpu.enqueue_dma source(%arg10 : memref<160xi32, #tpu.memory_space<hbm>>) target(%arg21 : memref<160xi32, #tpu.memory_space<vmem>>) target_semaphore(%run_scoped3A : memref<!tpu.dma_semaphore, #tpu.memory_space<semaphore_mem>>)
      tpu.wait_dma2 semaphore(%run_scoped3A : memref<!tpu.dma_semaphore, #tpu.memory_space<semaphore_mem>>) src(%arg10 : memref<160xi32, #tpu.memory_space<hbm>>) dst(%arg21 : memref<160xi32, #tpu.memory_space<vmem>>)
      tpu.yield
    }) : () -> ()
    %broadcast_in_dim3A = arith.constant 5 : i32
    %broadcast_in_dim3A_1 = vector.broadcast %broadcast_in_dim3A : i32 to vector<16xi32>
    %broadcast_in_dim3A_2 = arith.constant 3 : i32
    %broadcast_in_dim3A_3 = vector.broadcast %broadcast_in_dim3A_2 : i32 to vector<16xi32>
    %broadcast_in_dim3A_4 = arith.constant 4 : i32
    %broadcast_in_dim3A_5 = vector.broadcast %broadcast_in_dim3A_4 : i32 to vector<16xi32>
    %scan3A = arith.constant 0 : i32
    %scan3A_6 = arith.constant 0 : i32
    %scan3A_7 = arith.constant 8 : i32
    %scan3A_8 = arith.addi %scan3A_6, %scan3A_7 : i32
    %scan3A_9 = arith.constant 1 : i32
    scf.for %scan3A_11 = %scan3A_6 to %scan3A_8 step %scan3A_9  : i32 {
      %mul3A_12 = arith.constant 128 : i32
      %mul3A_13 = arith.muli %add3A, %mul3A_12 : i32
      %mul3A_14 = arith.constant 16 : i32
      %mul3A_15 = arith.muli %scan3A_11, %mul3A_14 : i32
      %add3A_16 = arith.addi %mul3A_13, %mul3A_15 : i32
      "tpu.region"() ({
        %run_scoped3A = tpu.sem_alloc : memref<!tpu.dma_semaphore, #tpu.memory_space<semaphore_mem>>
        %dma_start3A = tpu.memref_reshape %arg12 : memref<160x3xf32, #tpu.memory_space<vmem>> -> memref<16x10x3xf32, #tpu.memory_space<vmem>>
        %dma_start3A_452 = arith.constant 0 : i32
        %dma_start3A_453 = arith.constant 0 : i32
        %dma_start3A_454 = tpu.memref_slice %arg2[%add3A_16, %dma_start3A_452, %dma_start3A_453] : memref<4096x10x3xf32, #tpu.memory_space<hbm>> -> memref<16x10x3xf32, #tpu.memory_space<hbm>>
        %dma_start3A_455 = tpu.memref_reshape %arg12 : memref<160x3xf32, #tpu.memory_space<vmem>> -> memref<16x10x3xf32, #tpu.memory_space<vmem>>
        %dma_start3A_456 = arith.constant 0 : i32
        %dma_start3A_457 = arith.constant 0 : i32
        %dma_start3A_458 = tpu.memref_slice %arg2[%add3A_16, %dma_start3A_456, %dma_start3A_457] : memref<4096x10x3xf32, #tpu.memory_space<hbm>> -> memref<16x10x3xf32, #tpu.memory_space<hbm>>
        tpu.enqueue_dma source(%dma_start3A_458 : memref<16x10x3xf32, #tpu.memory_space<hbm>>) target(%dma_start3A_455 : memref<16x10x3xf32, #tpu.memory_space<vmem>>) target_semaphore(%run_scoped3A : memref<!tpu.dma_semaphore, #tpu.memory_space<semaphore_mem>>)
        %dma_wait3A = tpu.memref_reshape %arg12 : memref<160x3xf32, #tpu.memory_space<vmem>> -> memref<16x10x3xf32, #tpu.memory_space<vmem>>
        %dma_wait3A_459 = arith.constant 0 : i32
        %dma_wait3A_460 = arith.constant 0 : i32
        %dma_wait3A_461 = tpu.memref_slice %arg2[%add3A_16, %dma_wait3A_459, %dma_wait3A_460] : memref<4096x10x3xf32, #tpu.memory_space<hbm>> -> memref<16x10x3xf32, #tpu.memory_space<hbm>>
        %dma_wait3A_462 = tpu.memref_reshape %arg12 : memref<160x3xf32, #tpu.memory_space<vmem>> -> memref<16x10x3xf32, #tpu.memory_space<vmem>>
        %dma_wait3A_463 = arith.constant 0 : i32
        %dma_wait3A_464 = arith.constant 0 : i32
        %dma_wait3A_465 = tpu.memref_slice %arg2[%add3A_16, %dma_wait3A_463, %dma_wait3A_464] : memref<4096x10x3xf32, #tpu.memory_space<hbm>> -> memref<16x10x3xf32, #tpu.memory_space<hbm>>
        tpu.wait_dma2 semaphore(%run_scoped3A : memref<!tpu.dma_semaphore, #tpu.memory_space<semaphore_mem>>) src(%dma_wait3A_465 : memref<16x10x3xf32, #tpu.memory_space<hbm>>) dst(%dma_wait3A_462 : memref<16x10x3xf32, #tpu.memory_space<vmem>>)
        tpu.yield
      }) : () -> ()
      "tpu.region"() ({
        %run_scoped3A = tpu.sem_alloc : memref<!tpu.dma_semaphore, #tpu.memory_space<semaphore_mem>>
        %dma_start3A = arith.constant 0 : i32
        %dma_start3A_452 = tpu.memref_slice %arg3[%add3A_16, %dma_start3A] : memref<4096x10xf32, #tpu.memory_space<hbm>> -> memref<16x10xf32, #tpu.memory_space<hbm>>
        %dma_start3A_453 = arith.constant 0 : i32
        %dma_start3A_454 = tpu.memref_slice %arg3[%add3A_16, %dma_start3A_453] : memref<4096x10xf32, #tpu.memory_space<hbm>> -> memref<16x10xf32, #tpu.memory_space<hbm>>
        tpu.enqueue_dma source(%dma_start3A_454 : memref<16x10xf32, #tpu.memory_space<hbm>>) target(%arg13 : memref<16x10xf32, #tpu.memory_space<vmem>>) target_semaphore(%run_scoped3A : memref<!tpu.dma_semaphore, #tpu.memory_space<semaphore_mem>>)
        %dma_wait3A = arith.constant 0 : i32
        %dma_wait3A_455 = tpu.memref_slice %arg3[%add3A_16, %dma_wait3A] : memref<4096x10xf32, #tpu.memory_space<hbm>> -> memref<16x10xf32, #tpu.memory_space<hbm>>
        %dma_wait3A_456 = arith.constant 0 : i32
        %dma_wait3A_457 = tpu.memref_slice %arg3[%add3A_16, %dma_wait3A_456] : memref<4096x10xf32, #tpu.memory_space<hbm>> -> memref<16x10xf32, #tpu.memory_space<hbm>>
        tpu.wait_dma2 semaphore(%run_scoped3A : memref<!tpu.dma_semaphore, #tpu.memory_space<semaphore_mem>>) src(%dma_wait3A_457 : memref<16x10xf32, #tpu.memory_space<hbm>>) dst(%arg13 : memref<16x10xf32, #tpu.memory_space<vmem>>)
        tpu.yield
      }) : () -> ()
      "tpu.region"() ({
        %run_scoped3A = tpu.sem_alloc : memref<!tpu.dma_semaphore, #tpu.memory_space<semaphore_mem>>
        %dma_start3A = tpu.memref_reshape %arg14 : memref<160x2xf32, #tpu.memory_space<vmem>> -> memref<16x10x2xf32, #tpu.memory_space<vmem>>
        %dma_start3A_452 = arith.constant 0 : i32
        %dma_start3A_453 = arith.constant 0 : i32
        %dma_start3A_454 = tpu.memref_slice %arg4[%add3A_16, %dma_start3A_452, %dma_start3A_453] : memref<4096x10x2xf32, #tpu.memory_space<hbm>> -> memref<16x10x2xf32, #tpu.memory_space<hbm>>
        %dma_start3A_455 = tpu.memref_reshape %arg14 : memref<160x2xf32, #tpu.memory_space<vmem>> -> memref<16x10x2xf32, #tpu.memory_space<vmem>>
        %dma_start3A_456 = arith.constant 0 : i32
        %dma_start3A_457 = arith.constant 0 : i32
        %dma_start3A_458 = tpu.memref_slice %arg4[%add3A_16, %dma_start3A_456, %dma_start3A_457] : memref<4096x10x2xf32, #tpu.memory_space<hbm>> -> memref<16x10x2xf32, #tpu.memory_space<hbm>>
        tpu.enqueue_dma source(%dma_start3A_458 : memref<16x10x2xf32, #tpu.memory_space<hbm>>) target(%dma_start3A_455 : memref<16x10x2xf32, #tpu.memory_space<vmem>>) target_semaphore(%run_scoped3A : memref<!tpu.dma_semaphore, #tpu.memory_space<semaphore_mem>>)
        %dma_wait3A = tpu.memref_reshape %arg14 : memref<160x2xf32, #tpu.memory_space<vmem>> -> memref<16x10x2xf32, #tpu.memory_space<vmem>>
        %dma_wait3A_459 = arith.constant 0 : i32
        %dma_wait3A_460 = arith.constant 0 : i32
        %dma_wait3A_461 = tpu.memref_slice %arg4[%add3A_16, %dma_wait3A_459, %dma_wait3A_460] : memref<4096x10x2xf32, #tpu.memory_space<hbm>> -> memref<16x10x2xf32, #tpu.memory_space<hbm>>
        %dma_wait3A_462 = tpu.memref_reshape %arg14 : memref<160x2xf32, #tpu.memory_space<vmem>> -> memref<16x10x2xf32, #tpu.memory_space<vmem>>
        %dma_wait3A_463 = arith.constant 0 : i32
        %dma_wait3A_464 = arith.constant 0 : i32
        %dma_wait3A_465 = tpu.memref_slice %arg4[%add3A_16, %dma_wait3A_463, %dma_wait3A_464] : memref<4096x10x2xf32, #tpu.memory_space<hbm>> -> memref<16x10x2xf32, #tpu.memory_space<hbm>>
        tpu.wait_dma2 semaphore(%run_scoped3A : memref<!tpu.dma_semaphore, #tpu.memory_space<semaphore_mem>>) src(%dma_wait3A_465 : memref<16x10x2xf32, #tpu.memory_space<hbm>>) dst(%dma_wait3A_462 : memref<16x10x2xf32, #tpu.memory_space<vmem>>)
        tpu.yield
      }) : () -> ()
      %get3A = arith.constant 0 : index
      %get3A_17 = tpu.vector_load %arg16[%get3A] {strides = array<i32>} : memref<480xi32, #tpu.memory_space<vmem>>, vector<16xi32>,
      %get3A_18 = arith.constant 0 : index
      %get3A_19 = tpu.vector_load %arg17[%get3A_18] {strides = array<i32>} : memref<480xi32, #tpu.memory_space<vmem>>, vector<16xi32>,
      %gather3A = tpu.vector_load_idx %arg12[%get3A_17, %get3A_19] : memref<160x3xf32, #tpu.memory_space<vmem>>[vector<16xi32>, vector<16xi32>], vector<16xf32>,
      tpu.vector_store_idx %arg15[%get3A_17, %get3A_19], %gather3A : memref<160x7xf32, #tpu.memory_space<vmem>>[vector<16xi32>, vector<16xi32>], vector<16xf32>,
      %get3A_20 = arith.constant 16 : index
      %get3A_21 = tpu.vector_load %arg16[%get3A_20] {strides = array<i32>} : memref<480xi32, #tpu.memory_space<vmem>>, vector<16xi32>,
      %get3A_22 = arith.constant 16 : index
      %get3A_23 = tpu.vector_load %arg17[%get3A_22] {strides = array<i32>} : memref<480xi32, #tpu.memory_space<vmem>>, vector<16xi32>,
      %gather3A_24 = tpu.vector_load_idx %arg12[%get3A_21, %get3A_23] : memref<160x3xf32, #tpu.memory_space<vmem>>[vector<16xi32>, vector<16xi32>], vector<16xf32>,
      tpu.vector_store_idx %arg15[%get3A_21, %get3A_23], %gather3A_24 : memref<160x7xf32, #tpu.memory_space<vmem>>[vector<16xi32>, vector<16xi32>], vector<16xf32>,
      %get3A_25 = arith.constant 32 : index
      %get3A_26 = tpu.vector_load %arg16[%get3A_25] {strides = array<i32>} : memref<480xi32, #tpu.memory_space<vmem>>, vector<16xi32>,
      %get3A_27 = arith.constant 32 : index
      %get3A_28 = tpu.vector_load %arg17[%get3A_27] {strides = array<i32>} : memref<480xi32, #tpu.memory_space<vmem>>, vector<16xi32>,
      %gather3A_29 = tpu.vector_load_idx %arg12[%get3A_26, %get3A_28] : memref<160x3xf32, #tpu.memory_space<vmem>>[vector<16xi32>, vector<16xi32>], vector<16xf32>,
      tpu.vector_store_idx %arg15[%get3A_26, %get3A_28], %gather3A_29 : memref<160x7xf32, #tpu.memory_space<vmem>>[vector<16xi32>, vector<16xi32>], vector<16xf32>,
      %get3A_30 = arith.constant 48 : index
      %get3A_31 = tpu.vector_load %arg16[%get3A_30] {strides = array<i32>} : memref<480xi32, #tpu.memory_space<vmem>>, vector<16xi32>,
      %get3A_32 = arith.constant 48 : index
      %get3A_33 = tpu.vector_load %arg17[%get3A_32] {strides = array<i32>} : memref<480xi32, #tpu.memory_space<vmem>>, vector<16xi32>,
      %gather3A_34 = tpu.vector_load_idx %arg12[%get3A_31, %get3A_33] : memref<160x3xf32, #tpu.memory_space<vmem>>[vector<16xi32>, vector<16xi32>], vector<16xf32>,
      tpu.vector_store_idx %arg15[%get3A_31, %get3A_33], %gather3A_34 : memref<160x7xf32, #tpu.memory_space<vmem>>[vector<16xi32>, vector<16xi32>], vector<16xf32>,
      %get3A_35 = arith.constant 64 : index
      %get3A_36 = tpu.vector_load %arg16[%get3A_35] {strides = array<i32>} : memref<480xi32, #tpu.memory_space<vmem>>, vector<16xi32>,
      %get3A_37 = arith.constant 64 : index
      %get3A_38 = tpu.vector_load %arg17[%get3A_37] {strides = array<i32>} : memref<480xi32, #tpu.memory_space<vmem>>, vector<16xi32>,
      %gather3A_39 = tpu.vector_load_idx %arg12[%get3A_36, %get3A_38] : memref<160x3xf32, #tpu.memory_space<vmem>>[vector<16xi32>, vector<16xi32>], vector<16xf32>,
      tpu.vector_store_idx %arg15[%get3A_36, %get3A_38], %gather3A_39 : memref<160x7xf32, #tpu.memory_space<vmem>>[vector<16xi32>, vector<16xi32>], vector<16xf32>,
      %get3A_40 = arith.constant 80 : index
      %get3A_41 = tpu.vector_load %arg16[%get3A_40] {strides = array<i32>} : memref<480xi32, #tpu.memory_space<vmem>>, vector<16xi32>,
      %get3A_42 = arith.constant 80 : index
      %get3A_43 = tpu.vector_load %arg17[%get3A_42] {strides = array<i32>} : memref<480xi32, #tpu.memory_space<vmem>>, vector<16xi32>,
      %gather3A_44 = tpu.vector_load_idx %arg12[%get3A_41, %get3A_43] : memref<160x3xf32, #tpu.memory_space<vmem>>[vector<16xi32>, vector<16xi32>], vector<16xf32>,
      tpu.vector_store_idx %arg15[%get3A_41, %get3A_43], %gather3A_44 : memref<160x7xf32, #tpu.memory_space<vmem>>[vector<16xi32>, vector<16xi32>], vector<16xf32>,
      %get3A_45 = arith.constant 96 : index
      %get3A_46 = tpu.vector_load %arg16[%get3A_45] {strides = array<i32>} : memref<480xi32, #tpu.memory_space<vmem>>, vector<16xi32>,
      %get3A_47 = arith.constant 96 : index
      %get3A_48 = tpu.vector_load %arg17[%get3A_47] {strides = array<i32>} : memref<480xi32, #tpu.memory_space<vmem>>, vector<16xi32>,
      %gather3A_49 = tpu.vector_load_idx %arg12[%get3A_46, %get3A_48] : memref<160x3xf32, #tpu.memory_space<vmem>>[vector<16xi32>, vector<16xi32>], vector<16xf32>,
      tpu.vector_store_idx %arg15[%get3A_46, %get3A_48], %gather3A_49 : memref<160x7xf32, #tpu.memory_space<vmem>>[vector<16xi32>, vector<16xi32>], vector<16xf32>,
      %get3A_50 = arith.constant 112 : index
      %get3A_51 = tpu.vector_load %arg16[%get3A_50] {strides = array<i32>} : memref<480xi32, #tpu.memory_space<vmem>>, vector<16xi32>,
      %get3A_52 = arith.constant 112 : index
      %get3A_53 = tpu.vector_load %arg17[%get3A_52] {strides = array<i32>} : memref<480xi32, #tpu.memory_space<vmem>>, vector<16xi32>,
      %gather3A_54 = tpu.vector_load_idx %arg12[%get3A_51, %get3A_53] : memref<160x3xf32, #tpu.memory_space<vmem>>[vector<16xi32>, vector<16xi32>], vector<16xf32>,
      tpu.vector_store_idx %arg15[%get3A_51, %get3A_53], %gather3A_54 : memref<160x7xf32, #tpu.memory_space<vmem>>[vector<16xi32>, vector<16xi32>], vector<16xf32>,
      %get3A_55 = arith.constant 128 : index
      %get3A_56 = tpu.vector_load %arg16[%get3A_55] {strides = array<i32>} : memref<480xi32, #tpu.memory_space<vmem>>, vector<16xi32>,
      %get3A_57 = arith.constant 128 : index
      %get3A_58 = tpu.vector_load %arg17[%get3A_57] {strides = array<i32>} : memref<480xi32, #tpu.memory_space<vmem>>, vector<16xi32>,
      %gather3A_59 = tpu.vector_load_idx %arg12[%get3A_56, %get3A_58] : memref<160x3xf32, #tpu.memory_space<vmem>>[vector<16xi32>, vector<16xi32>], vector<16xf32>,
      tpu.vector_store_idx %arg15[%get3A_56, %get3A_58], %gather3A_59 : memref<160x7xf32, #tpu.memory_space<vmem>>[vector<16xi32>, vector<16xi32>], vector<16xf32>,
      %get3A_60 = arith.constant 144 : index
      %get3A_61 = tpu.vector_load %arg16[%get3A_60] {strides = array<i32>} : memref<480xi32, #tpu.memory_space<vmem>>, vector<16xi32>,
      %get3A_62 = arith.constant 144 : index
      %get3A_63 = tpu.vector_load %arg17[%get3A_62] {strides = array<i32>} : memref<480xi32, #tpu.memory_space<vmem>>, vector<16xi32>,
      %gather3A_64 = tpu.vector_load_idx %arg12[%get3A_61, %get3A_63] : memref<160x3xf32, #tpu.memory_space<vmem>>[vector<16xi32>, vector<16xi32>], vector<16xf32>,
      tpu.vector_store_idx %arg15[%get3A_61, %get3A_63], %gather3A_64 : memref<160x7xf32, #tpu.memory_space<vmem>>[vector<16xi32>, vector<16xi32>], vector<16xf32>,
      %get3A_65 = arith.constant 160 : index
      %get3A_66 = tpu.vector_load %arg16[%get3A_65] {strides = array<i32>} : memref<480xi32, #tpu.memory_space<vmem>>, vector<16xi32>,
      %get3A_67 = arith.constant 160 : index
      %get3A_68 = tpu.vector_load %arg17[%get3A_67] {strides = array<i32>} : memref<480xi32, #tpu.memory_space<vmem>>, vector<16xi32>,
      %gather3A_69 = tpu.vector_load_idx %arg12[%get3A_66, %get3A_68] : memref<160x3xf32, #tpu.memory_space<vmem>>[vector<16xi32>, vector<16xi32>], vector<16xf32>,
      tpu.vector_store_idx %arg15[%get3A_66, %get3A_68], %gather3A_69 : memref<160x7xf32, #tpu.memory_space<vmem>>[vector<16xi32>, vector<16xi32>], vector<16xf32>,
      %get3A_70 = arith.constant 176 : index
      %get3A_71 = tpu.vector_load %arg16[%get3A_70] {strides = array<i32>} : memref<480xi32, #tpu.memory_space<vmem>>, vector<16xi32>,
      %get3A_72 = arith.constant 176 : index
      %get3A_73 = tpu.vector_load %arg17[%get3A_72] {strides = array<i32>} : memref<480xi32, #tpu.memory_space<vmem>>, vector<16xi32>,
      %gather3A_74 = tpu.vector_load_idx %arg12[%get3A_71, %get3A_73] : memref<160x3xf32, #tpu.memory_space<vmem>>[vector<16xi32>, vector<16xi32>], vector<16xf32>,
      tpu.vector_store_idx %arg15[%get3A_71, %get3A_73], %gather3A_74 : memref<160x7xf32, #tpu.memory_space<vmem>>[vector<16xi32>, vector<16xi32>], vector<16xf32>,
      %get3A_75 = arith.constant 192 : index
      %get3A_76 = tpu.vector_load %arg16[%get3A_75] {strides = array<i32>} : memref<480xi32, #tpu.memory_space<vmem>>, vector<16xi32>,
      %get3A_77 = arith.constant 192 : index
      %get3A_78 = tpu.vector_load %arg17[%get3A_77] {strides = array<i32>} : memref<480xi32, #tpu.memory_space<vmem>>, vector<16xi32>,
      %gather3A_79 = tpu.vector_load_idx %arg12[%get3A_76, %get3A_78] : memref<160x3xf32, #tpu.memory_space<vmem>>[vector<16xi32>, vector<16xi32>], vector<16xf32>,
      tpu.vector_store_idx %arg15[%get3A_76, %get3A_78], %gather3A_79 : memref<160x7xf32, #tpu.memory_space<vmem>>[vector<16xi32>, vector<16xi32>], vector<16xf32>,
      %get3A_80 = arith.constant 208 : index
      %get3A_81 = tpu.vector_load %arg16[%get3A_80] {strides = array<i32>} : memref<480xi32, #tpu.memory_space<vmem>>, vector<16xi32>,
      %get3A_82 = arith.constant 208 : index
      %get3A_83 = tpu.vector_load %arg17[%get3A_82] {strides = array<i32>} : memref<480xi32, #tpu.memory_space<vmem>>, vector<16xi32>,
      %gather3A_84 = tpu.vector_load_idx %arg12[%get3A_81, %get3A_83] : memref<160x3xf32, #tpu.memory_space<vmem>>[vector<16xi32>, vector<16xi32>], vector<16xf32>,
      tpu.vector_store_idx %arg15[%get3A_81, %get3A_83], %gather3A_84 : memref<160x7xf32, #tpu.memory_space<vmem>>[vector<16xi32>, vector<16xi32>], vector<16xf32>,
      %get3A_85 = arith.constant 224 : index
      %get3A_86 = tpu.vector_load %arg16[%get3A_85] {strides = array<i32>} : memref<480xi32, #tpu.memory_space<vmem>>, vector<16xi32>,
      %get3A_87 = arith.constant 224 : index
      %get3A_88 = tpu.vector_load %arg17[%get3A_87] {strides = array<i32>} : memref<480xi32, #tpu.memory_space<vmem>>, vector<16xi32>,
      %gather3A_89 = tpu.vector_load_idx %arg12[%get3A_86, %get3A_88] : memref<160x3xf32, #tpu.memory_space<vmem>>[vector<16xi32>, vector<16xi32>], vector<16xf32>,
      tpu.vector_store_idx %arg15[%get3A_86, %get3A_88], %gather3A_89 : memref<160x7xf32, #tpu.memory_space<vmem>>[vector<16xi32>, vector<16xi32>], vector<16xf32>,
      %get3A_90 = arith.constant 240 : index
      %get3A_91 = tpu.vector_load %arg16[%get3A_90] {strides = array<i32>} : memref<480xi32, #tpu.memory_space<vmem>>, vector<16xi32>,
      %get3A_92 = arith.constant 240 : index
      %get3A_93 = tpu.vector_load %arg17[%get3A_92] {strides = array<i32>} : memref<480xi32, #tpu.memory_space<vmem>>, vector<16xi32>,
      %gather3A_94 = tpu.vector_load_idx %arg12[%get3A_91, %get3A_93] : memref<160x3xf32, #tpu.memory_space<vmem>>[vector<16xi32>, vector<16xi32>], vector<16xf32>,
      tpu.vector_store_idx %arg15[%get3A_91, %get3A_93], %gather3A_94 : memref<160x7xf32, #tpu.memory_space<vmem>>[vector<16xi32>, vector<16xi32>], vector<16xf32>,
      %get3A_95 = arith.constant 256 : index
      %get3A_96 = tpu.vector_load %arg16[%get3A_95] {strides = array<i32>} : memref<480xi32, #tpu.memory_space<vmem>>, vector<16xi32>,
      %get3A_97 = arith.constant 256 : index
      %get3A_98 = tpu.vector_load %arg17[%get3A_97] {strides = array<i32>} : memref<480xi32, #tpu.memory_space<vmem>>, vector<16xi32>,
      %gather3A_99 = tpu.vector_load_idx %arg12[%get3A_96, %get3A_98] : memref<160x3xf32, #tpu.memory_space<vmem>>[vector<16xi32>, vector<16xi32>], vector<16xf32>,
      tpu.vector_store_idx %arg15[%get3A_96, %get3A_98], %gather3A_99 : memref<160x7xf32, #tpu.memory_space<vmem>>[vector<16xi32>, vector<16xi32>], vector<16xf32>,
      %get3A_100 = arith.constant 272 : index
      %get3A_101 = tpu.vector_load %arg16[%get3A_100] {strides = array<i32>} : memref<480xi32, #tpu.memory_space<vmem>>, vector<16xi32>,
      %get3A_102 = arith.constant 272 : index
      %get3A_103 = tpu.vector_load %arg17[%get3A_102] {strides = array<i32>} : memref<480xi32, #tpu.memory_space<vmem>>, vector<16xi32>,
      %gather3A_104 = tpu.vector_load_idx %arg12[%get3A_101, %get3A_103] : memref<160x3xf32, #tpu.memory_space<vmem>>[vector<16xi32>, vector<16xi32>], vector<16xf32>,
      tpu.vector_store_idx %arg15[%get3A_101, %get3A_103], %gather3A_104 : memref<160x7xf32, #tpu.memory_space<vmem>>[vector<16xi32>, vector<16xi32>], vector<16xf32>,
      %get3A_105 = arith.constant 288 : index
      %get3A_106 = tpu.vector_load %arg16[%get3A_105] {strides = array<i32>} : memref<480xi32, #tpu.memory_space<vmem>>, vector<16xi32>,
      %get3A_107 = arith.constant 288 : index
      %get3A_108 = tpu.vector_load %arg17[%get3A_107] {strides = array<i32>} : memref<480xi32, #tpu.memory_space<vmem>>, vector<16xi32>,
      %gather3A_109 = tpu.vector_load_idx %arg12[%get3A_106, %get3A_108] : memref<160x3xf32, #tpu.memory_space<vmem>>[vector<16xi32>, vector<16xi32>], vector<16xf32>,
      tpu.vector_store_idx %arg15[%get3A_106, %get3A_108], %gather3A_109 : memref<160x7xf32, #tpu.memory_space<vmem>>[vector<16xi32>, vector<16xi32>], vector<16xf32>,
      %get3A_110 = arith.constant 304 : index
      %get3A_111 = tpu.vector_load %arg16[%get3A_110] {strides = array<i32>} : memref<480xi32, #tpu.memory_space<vmem>>, vector<16xi32>,
      %get3A_112 = arith.constant 304 : index
      %get3A_113 = tpu.vector_load %arg17[%get3A_112] {strides = array<i32>} : memref<480xi32, #tpu.memory_space<vmem>>, vector<16xi32>,
      %gather3A_114 = tpu.vector_load_idx %arg12[%get3A_111, %get3A_113] : memref<160x3xf32, #tpu.memory_space<vmem>>[vector<16xi32>, vector<16xi32>], vector<16xf32>,
      tpu.vector_store_idx %arg15[%get3A_111, %get3A_113], %gather3A_114 : memref<160x7xf32, #tpu.memory_space<vmem>>[vector<16xi32>, vector<16xi32>], vector<16xf32>,
      %get3A_115 = arith.constant 320 : index
      %get3A_116 = tpu.vector_load %arg16[%get3A_115] {strides = array<i32>} : memref<480xi32, #tpu.memory_space<vmem>>, vector<16xi32>,
      %get3A_117 = arith.constant 320 : index
      %get3A_118 = tpu.vector_load %arg17[%get3A_117] {strides = array<i32>} : memref<480xi32, #tpu.memory_space<vmem>>, vector<16xi32>,
      %gather3A_119 = tpu.vector_load_idx %arg12[%get3A_116, %get3A_118] : memref<160x3xf32, #tpu.memory_space<vmem>>[vector<16xi32>, vector<16xi32>], vector<16xf32>,
      tpu.vector_store_idx %arg15[%get3A_116, %get3A_118], %gather3A_119 : memref<160x7xf32, #tpu.memory_space<vmem>>[vector<16xi32>, vector<16xi32>], vector<16xf32>,
      %get3A_120 = arith.constant 336 : index
      %get3A_121 = tpu.vector_load %arg16[%get3A_120] {strides = array<i32>} : memref<480xi32, #tpu.memory_space<vmem>>, vector<16xi32>,
      %get3A_122 = arith.constant 336 : index
      %get3A_123 = tpu.vector_load %arg17[%get3A_122] {strides = array<i32>} : memref<480xi32, #tpu.memory_space<vmem>>, vector<16xi32>,
      %gather3A_124 = tpu.vector_load_idx %arg12[%get3A_121, %get3A_123] : memref<160x3xf32, #tpu.memory_space<vmem>>[vector<16xi32>, vector<16xi32>], vector<16xf32>,
      tpu.vector_store_idx %arg15[%get3A_121, %get3A_123], %gather3A_124 : memref<160x7xf32, #tpu.memory_space<vmem>>[vector<16xi32>, vector<16xi32>], vector<16xf32>,
      %get3A_125 = arith.constant 352 : index
      %get3A_126 = tpu.vector_load %arg16[%get3A_125] {strides = array<i32>} : memref<480xi32, #tpu.memory_space<vmem>>, vector<16xi32>,
      %get3A_127 = arith.constant 352 : index
      %get3A_128 = tpu.vector_load %arg17[%get3A_127] {strides = array<i32>} : memref<480xi32, #tpu.memory_space<vmem>>, vector<16xi32>,
      %gather3A_129 = tpu.vector_load_idx %arg12[%get3A_126, %get3A_128] : memref<160x3xf32, #tpu.memory_space<vmem>>[vector<16xi32>, vector<16xi32>], vector<16xf32>,
      tpu.vector_store_idx %arg15[%get3A_126, %get3A_128], %gather3A_129 : memref<160x7xf32, #tpu.memory_space<vmem>>[vector<16xi32>, vector<16xi32>], vector<16xf32>,
      %get3A_130 = arith.constant 368 : index
      %get3A_131 = tpu.vector_load %arg16[%get3A_130] {strides = array<i32>} : memref<480xi32, #tpu.memory_space<vmem>>, vector<16xi32>,
      %get3A_132 = arith.constant 368 : index
      %get3A_133 = tpu.vector_load %arg17[%get3A_132] {strides = array<i32>} : memref<480xi32, #tpu.memory_space<vmem>>, vector<16xi32>,
      %gather3A_134 = tpu.vector_load_idx %arg12[%get3A_131, %get3A_133] : memref<160x3xf32, #tpu.memory_space<vmem>>[vector<16xi32>, vector<16xi32>], vector<16xf32>,
      tpu.vector_store_idx %arg15[%get3A_131, %get3A_133], %gather3A_134 : memref<160x7xf32, #tpu.memory_space<vmem>>[vector<16xi32>, vector<16xi32>], vector<16xf32>,
      %get3A_135 = arith.constant 384 : index
      %get3A_136 = tpu.vector_load %arg16[%get3A_135] {strides = array<i32>} : memref<480xi32, #tpu.memory_space<vmem>>, vector<16xi32>,
      %get3A_137 = arith.constant 384 : index
      %get3A_138 = tpu.vector_load %arg17[%get3A_137] {strides = array<i32>} : memref<480xi32, #tpu.memory_space<vmem>>, vector<16xi32>,
      %gather3A_139 = tpu.vector_load_idx %arg12[%get3A_136, %get3A_138] : memref<160x3xf32, #tpu.memory_space<vmem>>[vector<16xi32>, vector<16xi32>], vector<16xf32>,
      tpu.vector_store_idx %arg15[%get3A_136, %get3A_138], %gather3A_139 : memref<160x7xf32, #tpu.memory_space<vmem>>[vector<16xi32>, vector<16xi32>], vector<16xf32>,
      %get3A_140 = arith.constant 400 : index
      %get3A_141 = tpu.vector_load %arg16[%get3A_140] {strides = array<i32>} : memref<480xi32, #tpu.memory_space<vmem>>, vector<16xi32>,
      %get3A_142 = arith.constant 400 : index
      %get3A_143 = tpu.vector_load %arg17[%get3A_142] {strides = array<i32>} : memref<480xi32, #tpu.memory_space<vmem>>, vector<16xi32>,
      %gather3A_144 = tpu.vector_load_idx %arg12[%get3A_141, %get3A_143] : memref<160x3xf32, #tpu.memory_space<vmem>>[vector<16xi32>, vector<16xi32>], vector<16xf32>,
      tpu.vector_store_idx %arg15[%get3A_141, %get3A_143], %gather3A_144 : memref<160x7xf32, #tpu.memory_space<vmem>>[vector<16xi32>, vector<16xi32>], vector<16xf32>,
      %get3A_145 = arith.constant 416 : index
      %get3A_146 = tpu.vector_load %arg16[%get3A_145] {strides = array<i32>} : memref<480xi32, #tpu.memory_space<vmem>>, vector<16xi32>,
      %get3A_147 = arith.constant 416 : index
      %get3A_148 = tpu.vector_load %arg17[%get3A_147] {strides = array<i32>} : memref<480xi32, #tpu.memory_space<vmem>>, vector<16xi32>,
      %gather3A_149 = tpu.vector_load_idx %arg12[%get3A_146, %get3A_148] : memref<160x3xf32, #tpu.memory_space<vmem>>[vector<16xi32>, vector<16xi32>], vector<16xf32>,
      tpu.vector_store_idx %arg15[%get3A_146, %get3A_148], %gather3A_149 : memref<160x7xf32, #tpu.memory_space<vmem>>[vector<16xi32>, vector<16xi32>], vector<16xf32>,
      %get3A_150 = arith.constant 432 : index
      %get3A_151 = tpu.vector_load %arg16[%get3A_150] {strides = array<i32>} : memref<480xi32, #tpu.memory_space<vmem>>, vector<16xi32>,
      %get3A_152 = arith.constant 432 : index
      %get3A_153 = tpu.vector_load %arg17[%get3A_152] {strides = array<i32>} : memref<480xi32, #tpu.memory_space<vmem>>, vector<16xi32>,
      %gather3A_154 = tpu.vector_load_idx %arg12[%get3A_151, %get3A_153] : memref<160x3xf32, #tpu.memory_space<vmem>>[vector<16xi32>, vector<16xi32>], vector<16xf32>,
      tpu.vector_store_idx %arg15[%get3A_151, %get3A_153], %gather3A_154 : memref<160x7xf32, #tpu.memory_space<vmem>>[vector<16xi32>, vector<16xi32>], vector<16xf32>,
      %get3A_155 = arith.constant 448 : index
      %get3A_156 = tpu.vector_load %arg16[%get3A_155] {strides = array<i32>} : memref<480xi32, #tpu.memory_space<vmem>>, vector<16xi32>,
      %get3A_157 = arith.constant 448 : index
      %get3A_158 = tpu.vector_load %arg17[%get3A_157] {strides = array<i32>} : memref<480xi32, #tpu.memory_space<vmem>>, vector<16xi32>,
      %gather3A_159 = tpu.vector_load_idx %arg12[%get3A_156, %get3A_158] : memref<160x3xf32, #tpu.memory_space<vmem>>[vector<16xi32>, vector<16xi32>], vector<16xf32>,
      tpu.vector_store_idx %arg15[%get3A_156, %get3A_158], %gather3A_159 : memref<160x7xf32, #tpu.memory_space<vmem>>[vector<16xi32>, vector<16xi32>], vector<16xf32>,
      %get3A_160 = arith.constant 464 : index
      %get3A_161 = tpu.vector_load %arg16[%get3A_160] {strides = array<i32>} : memref<480xi32, #tpu.memory_space<vmem>>, vector<16xi32>,
      %get3A_162 = arith.constant 464 : index
      %get3A_163 = tpu.vector_load %arg17[%get3A_162] {strides = array<i32>} : memref<480xi32, #tpu.memory_space<vmem>>, vector<16xi32>,
      %gather3A_164 = tpu.vector_load_idx %arg12[%get3A_161, %get3A_163] : memref<160x3xf32, #tpu.memory_space<vmem>>[vector<16xi32>, vector<16xi32>], vector<16xf32>,
      tpu.vector_store_idx %arg15[%get3A_161, %get3A_163], %gather3A_164 : memref<160x7xf32, #tpu.memory_space<vmem>>[vector<16xi32>, vector<16xi32>], vector<16xf32>,
      %get3A_165 = arith.constant 0 : index
      %get3A_166 = tpu.vector_load %arg18[%get3A_165] {strides = array<i32>} : memref<320xi32, #tpu.memory_space<vmem>>, vector<16xi32>,
      %get3A_167 = arith.constant 0 : index
      %get3A_168 = tpu.vector_load %arg19[%get3A_167] {strides = array<i32>} : memref<320xi32, #tpu.memory_space<vmem>>, vector<16xi32>,
      %add3A_169 = arith.addi %get3A_168, %broadcast_in_dim3A_1 : vector<16xi32>
      %gather3A_170 = tpu.vector_load_idx %arg14[%get3A_166, %get3A_168] : memref<160x2xf32, #tpu.memory_space<vmem>>[vector<16xi32>, vector<16xi32>], vector<16xf32>,
      tpu.vector_store_idx %arg15[%get3A_166, %add3A_169], %gather3A_170 : memref<160x7xf32, #tpu.memory_space<vmem>>[vector<16xi32>, vector<16xi32>], vector<16xf32>,
      %get3A_171 = arith.constant 16 : index
      %get3A_172 = tpu.vector_load %arg18[%get3A_171] {strides = array<i32>} : memref<320xi32, #tpu.memory_space<vmem>>, vector<16xi32>,
      %get3A_173 = arith.constant 16 : index
      %get3A_174 = tpu.vector_load %arg19[%get3A_173] {strides = array<i32>} : memref<320xi32, #tpu.memory_space<vmem>>, vector<16xi32>,
      %add3A_175 = arith.addi %get3A_174, %broadcast_in_dim3A_1 : vector<16xi32>
      %gather3A_176 = tpu.vector_load_idx %arg14[%get3A_172, %get3A_174] : memref<160x2xf32, #tpu.memory_space<vmem>>[vector<16xi32>, vector<16xi32>], vector<16xf32>,
      tpu.vector_store_idx %arg15[%get3A_172, %add3A_175], %gather3A_176 : memref<160x7xf32, #tpu.memory_space<vmem>>[vector<16xi32>, vector<16xi32>], vector<16xf32>,
      %get3A_177 = arith.constant 32 : index
      %get3A_178 = tpu.vector_load %arg18[%get3A_177] {strides = array<i32>} : memref<320xi32, #tpu.memory_space<vmem>>, vector<16xi32>,
      %get3A_179 = arith.constant 32 : index
      %get3A_180 = tpu.vector_load %arg19[%get3A_179] {strides = array<i32>} : memref<320xi32, #tpu.memory_space<vmem>>, vector<16xi32>,
      %add3A_181 = arith.addi %get3A_180, %broadcast_in_dim3A_1 : vector<16xi32>
      %gather3A_182 = tpu.vector_load_idx %arg14[%get3A_178, %get3A_180] : memref<160x2xf32, #tpu.memory_space<vmem>>[vector<16xi32>, vector<16xi32>], vector<16xf32>,
      tpu.vector_store_idx %arg15[%get3A_178, %add3A_181], %gather3A_182 : memref<160x7xf32, #tpu.memory_space<vmem>>[vector<16xi32>, vector<16xi32>], vector<16xf32>,
      %get3A_183 = arith.constant 48 : index
      %get3A_184 = tpu.vector_load %arg18[%get3A_183] {strides = array<i32>} : memref<320xi32, #tpu.memory_space<vmem>>, vector<16xi32>,
      %get3A_185 = arith.constant 48 : index
      %get3A_186 = tpu.vector_load %arg19[%get3A_185] {strides = array<i32>} : memref<320xi32, #tpu.memory_space<vmem>>, vector<16xi32>,
      %add3A_187 = arith.addi %get3A_186, %broadcast_in_dim3A_1 : vector<16xi32>
      %gather3A_188 = tpu.vector_load_idx %arg14[%get3A_184, %get3A_186] : memref<160x2xf32, #tpu.memory_space<vmem>>[vector<16xi32>, vector<16xi32>], vector<16xf32>,
      tpu.vector_store_idx %arg15[%get3A_184, %add3A_187], %gather3A_188 : memref<160x7xf32, #tpu.memory_space<vmem>>[vector<16xi32>, vector<16xi32>], vector<16xf32>,
      %get3A_189 = arith.constant 64 : index
      %get3A_190 = tpu.vector_load %arg18[%get3A_189] {strides = array<i32>} : memref<320xi32, #tpu.memory_space<vmem>>, vector<16xi32>,
      %get3A_191 = arith.constant 64 : index
      %get3A_192 = tpu.vector_load %arg19[%get3A_191] {strides = array<i32>} : memref<320xi32, #tpu.memory_space<vmem>>, vector<16xi32>,
      %add3A_193 = arith.addi %get3A_192, %broadcast_in_dim3A_1 : vector<16xi32>
      %gather3A_194 = tpu.vector_load_idx %arg14[%get3A_190, %get3A_192] : memref<160x2xf32, #tpu.memory_space<vmem>>[vector<16xi32>, vector<16xi32>], vector<16xf32>,
      tpu.vector_store_idx %arg15[%get3A_190, %add3A_193], %gather3A_194 : memref<160x7xf32, #tpu.memory_space<vmem>>[vector<16xi32>, vector<16xi32>], vector<16xf32>,
      %get3A_195 = arith.constant 80 : index
      %get3A_196 = tpu.vector_load %arg18[%get3A_195] {strides = array<i32>} : memref<320xi32, #tpu.memory_space<vmem>>, vector<16xi32>,
      %get3A_197 = arith.constant 80 : index
      %get3A_198 = tpu.vector_load %arg19[%get3A_197] {strides = array<i32>} : memref<320xi32, #tpu.memory_space<vmem>>, vector<16xi32>,
      %add3A_199 = arith.addi %get3A_198, %broadcast_in_dim3A_1 : vector<16xi32>
      %gather3A_200 = tpu.vector_load_idx %arg14[%get3A_196, %get3A_198] : memref<160x2xf32, #tpu.memory_space<vmem>>[vector<16xi32>, vector<16xi32>], vector<16xf32>,
      tpu.vector_store_idx %arg15[%get3A_196, %add3A_199], %gather3A_200 : memref<160x7xf32, #tpu.memory_space<vmem>>[vector<16xi32>, vector<16xi32>], vector<16xf32>,
      %get3A_201 = arith.constant 96 : index
      %get3A_202 = tpu.vector_load %arg18[%get3A_201] {strides = array<i32>} : memref<320xi32, #tpu.memory_space<vmem>>, vector<16xi32>,
      %get3A_203 = arith.constant 96 : index
      %get3A_204 = tpu.vector_load %arg19[%get3A_203] {strides = array<i32>} : memref<320xi32, #tpu.memory_space<vmem>>, vector<16xi32>,
      %add3A_205 = arith.addi %get3A_204, %broadcast_in_dim3A_1 : vector<16xi32>
      %gather3A_206 = tpu.vector_load_idx %arg14[%get3A_202, %get3A_204] : memref<160x2xf32, #tpu.memory_space<vmem>>[vector<16xi32>, vector<16xi32>], vector<16xf32>,
      tpu.vector_store_idx %arg15[%get3A_202, %add3A_205], %gather3A_206 : memref<160x7xf32, #tpu.memory_space<vmem>>[vector<16xi32>, vector<16xi32>], vector<16xf32>,
      %get3A_207 = arith.constant 112 : index
      %get3A_208 = tpu.vector_load %arg18[%get3A_207] {strides = array<i32>} : memref<320xi32, #tpu.memory_space<vmem>>, vector<16xi32>,
      %get3A_209 = arith.constant 112 : index
      %get3A_210 = tpu.vector_load %arg19[%get3A_209] {strides = array<i32>} : memref<320xi32, #tpu.memory_space<vmem>>, vector<16xi32>,
      %add3A_211 = arith.addi %get3A_210, %broadcast_in_dim3A_1 : vector<16xi32>
      %gather3A_212 = tpu.vector_load_idx %arg14[%get3A_208, %get3A_210] : memref<160x2xf32, #tpu.memory_space<vmem>>[vector<16xi32>, vector<16xi32>], vector<16xf32>,
      tpu.vector_store_idx %arg15[%get3A_208, %add3A_211], %gather3A_212 : memref<160x7xf32, #tpu.memory_space<vmem>>[vector<16xi32>, vector<16xi32>], vector<16xf32>,
      %get3A_213 = arith.constant 128 : index
      %get3A_214 = tpu.vector_load %arg18[%get3A_213] {strides = array<i32>} : memref<320xi32, #tpu.memory_space<vmem>>, vector<16xi32>,
      %get3A_215 = arith.constant 128 : index
      %get3A_216 = tpu.vector_load %arg19[%get3A_215] {strides = array<i32>} : memref<320xi32, #tpu.memory_space<vmem>>, vector<16xi32>,
      %add3A_217 = arith.addi %get3A_216, %broadcast_in_dim3A_1 : vector<16xi32>
      %gather3A_218 = tpu.vector_load_idx %arg14[%get3A_214, %get3A_216] : memref<160x2xf32, #tpu.memory_space<vmem>>[vector<16xi32>, vector<16xi32>], vector<16xf32>,
      tpu.vector_store_idx %arg15[%get3A_214, %add3A_217], %gather3A_218 : memref<160x7xf32, #tpu.memory_space<vmem>>[vector<16xi32>, vector<16xi32>], vector<16xf32>,
      %get3A_219 = arith.constant 144 : index
      %get3A_220 = tpu.vector_load %arg18[%get3A_219] {strides = array<i32>} : memref<320xi32, #tpu.memory_space<vmem>>, vector<16xi32>,
      %get3A_221 = arith.constant 144 : index
      %get3A_222 = tpu.vector_load %arg19[%get3A_221] {strides = array<i32>} : memref<320xi32, #tpu.memory_space<vmem>>, vector<16xi32>,
      %add3A_223 = arith.addi %get3A_222, %broadcast_in_dim3A_1 : vector<16xi32>
      %gather3A_224 = tpu.vector_load_idx %arg14[%get3A_220, %get3A_222] : memref<160x2xf32, #tpu.memory_space<vmem>>[vector<16xi32>, vector<16xi32>], vector<16xf32>,
      tpu.vector_store_idx %arg15[%get3A_220, %add3A_223], %gather3A_224 : memref<160x7xf32, #tpu.memory_space<vmem>>[vector<16xi32>, vector<16xi32>], vector<16xf32>,
      %get3A_225 = arith.constant 160 : index
      %get3A_226 = tpu.vector_load %arg18[%get3A_225] {strides = array<i32>} : memref<320xi32, #tpu.memory_space<vmem>>, vector<16xi32>,
      %get3A_227 = arith.constant 160 : index
      %get3A_228 = tpu.vector_load %arg19[%get3A_227] {strides = array<i32>} : memref<320xi32, #tpu.memory_space<vmem>>, vector<16xi32>,
      %add3A_229 = arith.addi %get3A_228, %broadcast_in_dim3A_1 : vector<16xi32>
      %gather3A_230 = tpu.vector_load_idx %arg14[%get3A_226, %get3A_228] : memref<160x2xf32, #tpu.memory_space<vmem>>[vector<16xi32>, vector<16xi32>], vector<16xf32>,
      tpu.vector_store_idx %arg15[%get3A_226, %add3A_229], %gather3A_230 : memref<160x7xf32, #tpu.memory_space<vmem>>[vector<16xi32>, vector<16xi32>], vector<16xf32>,
      %get3A_231 = arith.constant 176 : index
      %get3A_232 = tpu.vector_load %arg18[%get3A_231] {strides = array<i32>} : memref<320xi32, #tpu.memory_space<vmem>>, vector<16xi32>,
      %get3A_233 = arith.constant 176 : index
      %get3A_234 = tpu.vector_load %arg19[%get3A_233] {strides = array<i32>} : memref<320xi32, #tpu.memory_space<vmem>>, vector<16xi32>,
      %add3A_235 = arith.addi %get3A_234, %broadcast_in_dim3A_1 : vector<16xi32>
      %gather3A_236 = tpu.vector_load_idx %arg14[%get3A_232, %get3A_234] : memref<160x2xf32, #tpu.memory_space<vmem>>[vector<16xi32>, vector<16xi32>], vector<16xf32>,
      tpu.vector_store_idx %arg15[%get3A_232, %add3A_235], %gather3A_236 : memref<160x7xf32, #tpu.memory_space<vmem>>[vector<16xi32>, vector<16xi32>], vector<16xf32>,
      %get3A_237 = arith.constant 192 : index
      %get3A_238 = tpu.vector_load %arg18[%get3A_237] {strides = array<i32>} : memref<320xi32, #tpu.memory_space<vmem>>, vector<16xi32>,
      %get3A_239 = arith.constant 192 : index
      %get3A_240 = tpu.vector_load %arg19[%get3A_239] {strides = array<i32>} : memref<320xi32, #tpu.memory_space<vmem>>, vector<16xi32>,
      %add3A_241 = arith.addi %get3A_240, %broadcast_in_dim3A_1 : vector<16xi32>
      %gather3A_242 = tpu.vector_load_idx %arg14[%get3A_238, %get3A_240] : memref<160x2xf32, #tpu.memory_space<vmem>>[vector<16xi32>, vector<16xi32>], vector<16xf32>,
      tpu.vector_store_idx %arg15[%get3A_238, %add3A_241], %gather3A_242 : memref<160x7xf32, #tpu.memory_space<vmem>>[vector<16xi32>, vector<16xi32>], vector<16xf32>,
      %get3A_243 = arith.constant 208 : index
      %get3A_244 = tpu.vector_load %arg18[%get3A_243] {strides = array<i32>} : memref<320xi32, #tpu.memory_space<vmem>>, vector<16xi32>,
      %get3A_245 = arith.constant 208 : index
      %get3A_246 = tpu.vector_load %arg19[%get3A_245] {strides = array<i32>} : memref<320xi32, #tpu.memory_space<vmem>>, vector<16xi32>,
      %add3A_247 = arith.addi %get3A_246, %broadcast_in_dim3A_1 : vector<16xi32>
      %gather3A_248 = tpu.vector_load_idx %arg14[%get3A_244, %get3A_246] : memref<160x2xf32, #tpu.memory_space<vmem>>[vector<16xi32>, vector<16xi32>], vector<16xf32>,
      tpu.vector_store_idx %arg15[%get3A_244, %add3A_247], %gather3A_248 : memref<160x7xf32, #tpu.memory_space<vmem>>[vector<16xi32>, vector<16xi32>], vector<16xf32>,
      %get3A_249 = arith.constant 224 : index
      %get3A_250 = tpu.vector_load %arg18[%get3A_249] {strides = array<i32>} : memref<320xi32, #tpu.memory_space<vmem>>, vector<16xi32>,
      %get3A_251 = arith.constant 224 : index
      %get3A_252 = tpu.vector_load %arg19[%get3A_251] {strides = array<i32>} : memref<320xi32, #tpu.memory_space<vmem>>, vector<16xi32>,
      %add3A_253 = arith.addi %get3A_252, %broadcast_in_dim3A_1 : vector<16xi32>
      %gather3A_254 = tpu.vector_load_idx %arg14[%get3A_250, %get3A_252] : memref<160x2xf32, #tpu.memory_space<vmem>>[vector<16xi32>, vector<16xi32>], vector<16xf32>,
      tpu.vector_store_idx %arg15[%get3A_250, %add3A_253], %gather3A_254 : memref<160x7xf32, #tpu.memory_space<vmem>>[vector<16xi32>, vector<16xi32>], vector<16xf32>,
      %get3A_255 = arith.constant 240 : index
      %get3A_256 = tpu.vector_load %arg18[%get3A_255] {strides = array<i32>} : memref<320xi32, #tpu.memory_space<vmem>>, vector<16xi32>,
      %get3A_257 = arith.constant 240 : index
      %get3A_258 = tpu.vector_load %arg19[%get3A_257] {strides = array<i32>} : memref<320xi32, #tpu.memory_space<vmem>>, vector<16xi32>,
      %add3A_259 = arith.addi %get3A_258, %broadcast_in_dim3A_1 : vector<16xi32>
      %gather3A_260 = tpu.vector_load_idx %arg14[%get3A_256, %get3A_258] : memref<160x2xf32, #tpu.memory_space<vmem>>[vector<16xi32>, vector<16xi32>], vector<16xf32>,
      tpu.vector_store_idx %arg15[%get3A_256, %add3A_259], %gather3A_260 : memref<160x7xf32, #tpu.memory_space<vmem>>[vector<16xi32>, vector<16xi32>], vector<16xf32>,
      %get3A_261 = arith.constant 256 : index
      %get3A_262 = tpu.vector_load %arg18[%get3A_261] {strides = array<i32>} : memref<320xi32, #tpu.memory_space<vmem>>, vector<16xi32>,
      %get3A_263 = arith.constant 256 : index
      %get3A_264 = tpu.vector_load %arg19[%get3A_263] {strides = array<i32>} : memref<320xi32, #tpu.memory_space<vmem>>, vector<16xi32>,
      %add3A_265 = arith.addi %get3A_264, %broadcast_in_dim3A_1 : vector<16xi32>
      %gather3A_266 = tpu.vector_load_idx %arg14[%get3A_262, %get3A_264] : memref<160x2xf32, #tpu.memory_space<vmem>>[vector<16xi32>, vector<16xi32>], vector<16xf32>,
      tpu.vector_store_idx %arg15[%get3A_262, %add3A_265], %gather3A_266 : memref<160x7xf32, #tpu.memory_space<vmem>>[vector<16xi32>, vector<16xi32>], vector<16xf32>,
      %get3A_267 = arith.constant 272 : index
      %get3A_268 = tpu.vector_load %arg18[%get3A_267] {strides = array<i32>} : memref<320xi32, #tpu.memory_space<vmem>>, vector<16xi32>,
      %get3A_269 = arith.constant 272 : index
      %get3A_270 = tpu.vector_load %arg19[%get3A_269] {strides = array<i32>} : memref<320xi32, #tpu.memory_space<vmem>>, vector<16xi32>,
      %add3A_271 = arith.addi %get3A_270, %broadcast_in_dim3A_1 : vector<16xi32>
      %gather3A_272 = tpu.vector_load_idx %arg14[%get3A_268, %get3A_270] : memref<160x2xf32, #tpu.memory_space<vmem>>[vector<16xi32>, vector<16xi32>], vector<16xf32>,
      tpu.vector_store_idx %arg15[%get3A_268, %add3A_271], %gather3A_272 : memref<160x7xf32, #tpu.memory_space<vmem>>[vector<16xi32>, vector<16xi32>], vector<16xf32>,
      %get3A_273 = arith.constant 288 : index
      %get3A_274 = tpu.vector_load %arg18[%get3A_273] {strides = array<i32>} : memref<320xi32, #tpu.memory_space<vmem>>, vector<16xi32>,
      %get3A_275 = arith.constant 288 : index
      %get3A_276 = tpu.vector_load %arg19[%get3A_275] {strides = array<i32>} : memref<320xi32, #tpu.memory_space<vmem>>, vector<16xi32>,
      %add3A_277 = arith.addi %get3A_276, %broadcast_in_dim3A_1 : vector<16xi32>
      %gather3A_278 = tpu.vector_load_idx %arg14[%get3A_274, %get3A_276] : memref<160x2xf32, #tpu.memory_space<vmem>>[vector<16xi32>, vector<16xi32>], vector<16xf32>,
      tpu.vector_store_idx %arg15[%get3A_274, %add3A_277], %gather3A_278 : memref<160x7xf32, #tpu.memory_space<vmem>>[vector<16xi32>, vector<16xi32>], vector<16xf32>,
      %get3A_279 = arith.constant 304 : index
      %get3A_280 = tpu.vector_load %arg18[%get3A_279] {strides = array<i32>} : memref<320xi32, #tpu.memory_space<vmem>>, vector<16xi32>,
      %get3A_281 = arith.constant 304 : index
      %get3A_282 = tpu.vector_load %arg19[%get3A_281] {strides = array<i32>} : memref<320xi32, #tpu.memory_space<vmem>>, vector<16xi32>,
      %add3A_283 = arith.addi %get3A_282, %broadcast_in_dim3A_1 : vector<16xi32>
      %gather3A_284 = tpu.vector_load_idx %arg14[%get3A_280, %get3A_282] : memref<160x2xf32, #tpu.memory_space<vmem>>[vector<16xi32>, vector<16xi32>], vector<16xf32>,
      tpu.vector_store_idx %arg15[%get3A_280, %add3A_283], %gather3A_284 : memref<160x7xf32, #tpu.memory_space<vmem>>[vector<16xi32>, vector<16xi32>], vector<16xf32>,
      %get3A_285 = arith.constant 0 : index
      %get3A_286 = tpu.vector_load %arg20[%get3A_285] {strides = array<i32>} : memref<160xi32, #tpu.memory_space<vmem>>, vector<16xi32>,
      %get3A_287 = arith.constant 0 : index
      %get3A_288 = tpu.vector_load %arg21[%get3A_287] {strides = array<i32>} : memref<160xi32, #tpu.memory_space<vmem>>, vector<16xi32>,
      %mul3A_289 = arith.constant 10 : i32
      %mul3A_290 = vector.broadcast %mul3A_289 : i32 to vector<16xi32>
      %mul3A_291 = arith.muli %get3A_286, %mul3A_290 : vector<16xi32>
      %add3A_292 = arith.addi %mul3A_291, %get3A_288 : vector<16xi32>
      %gather3A_293 = tpu.vector_load_idx %arg13[%get3A_286, %get3A_288] : memref<16x10xf32, #tpu.memory_space<vmem>>[vector<16xi32>, vector<16xi32>], vector<16xf32>,
      %gt3A = arith.constant 3.000000e-01 : f32
      %gt3A_294 = vector.broadcast %gt3A : f32 to vector<16xf32>
      %gt3A_295 = arith.cmpf ogt, %gather3A_293, %gt3A_294 : vector<16xf32>
      %jit3A = arith.constant 0.000000e+00 : f32
      %jit3A_296 = arith.constant -1.000000e+00 : f32
      %broadcast_in_dim3A_297 = vector.broadcast %jit3A : f32 to vector<16xf32>
      %broadcast_in_dim3A_298 = vector.broadcast %jit3A_296 : f32 to vector<16xf32>
      %select_n3A = arith.select %gt3A_295, %broadcast_in_dim3A_297, %broadcast_in_dim3A_298 : vector<16xi1>, vector<16xf32>
      tpu.vector_store_idx %arg15[%add3A_292, %broadcast_in_dim3A_5], %gather3A_293 : memref<160x7xf32, #tpu.memory_space<vmem>>[vector<16xi32>, vector<16xi32>], vector<16xf32>,
      tpu.vector_store_idx %arg15[%add3A_292, %broadcast_in_dim3A_3], %select_n3A : memref<160x7xf32, #tpu.memory_space<vmem>>[vector<16xi32>, vector<16xi32>], vector<16xf32>,
      %get3A_299 = arith.constant 16 : index
      %get3A_300 = tpu.vector_load %arg20[%get3A_299] {strides = array<i32>} : memref<160xi32, #tpu.memory_space<vmem>>, vector<16xi32>,
      %get3A_301 = arith.constant 16 : index
      %get3A_302 = tpu.vector_load %arg21[%get3A_301] {strides = array<i32>} : memref<160xi32, #tpu.memory_space<vmem>>, vector<16xi32>,
      %mul3A_303 = arith.constant 10 : i32
      %mul3A_304 = vector.broadcast %mul3A_303 : i32 to vector<16xi32>
      %mul3A_305 = arith.muli %get3A_300, %mul3A_304 : vector<16xi32>
      %add3A_306 = arith.addi %mul3A_305, %get3A_302 : vector<16xi32>
      %gather3A_307 = tpu.vector_load_idx %arg13[%get3A_300, %get3A_302] : memref<16x10xf32, #tpu.memory_space<vmem>>[vector<16xi32>, vector<16xi32>], vector<16xf32>,
      %gt3A_308 = arith.constant 3.000000e-01 : f32
      %gt3A_309 = vector.broadcast %gt3A_308 : f32 to vector<16xf32>
      %gt3A_310 = arith.cmpf ogt, %gather3A_307, %gt3A_309 : vector<16xf32>
      %jit3A_311 = arith.constant 0.000000e+00 : f32
      %jit3A_312 = arith.constant -1.000000e+00 : f32
      %broadcast_in_dim3A_313 = vector.broadcast %jit3A_311 : f32 to vector<16xf32>
      %broadcast_in_dim3A_314 = vector.broadcast %jit3A_312 : f32 to vector<16xf32>
      %select_n3A_315 = arith.select %gt3A_310, %broadcast_in_dim3A_313, %broadcast_in_dim3A_314 : vector<16xi1>, vector<16xf32>
      tpu.vector_store_idx %arg15[%add3A_306, %broadcast_in_dim3A_5], %gather3A_307 : memref<160x7xf32, #tpu.memory_space<vmem>>[vector<16xi32>, vector<16xi32>], vector<16xf32>,
      tpu.vector_store_idx %arg15[%add3A_306, %broadcast_in_dim3A_3], %select_n3A_315 : memref<160x7xf32, #tpu.memory_space<vmem>>[vector<16xi32>, vector<16xi32>], vector<16xf32>,
      %get3A_316 = arith.constant 32 : index
      %get3A_317 = tpu.vector_load %arg20[%get3A_316] {strides = array<i32>} : memref<160xi32, #tpu.memory_space<vmem>>, vector<16xi32>,
      %get3A_318 = arith.constant 32 : index
      %get3A_319 = tpu.vector_load %arg21[%get3A_318] {strides = array<i32>} : memref<160xi32, #tpu.memory_space<vmem>>, vector<16xi32>,
      %mul3A_320 = arith.constant 10 : i32
      %mul3A_321 = vector.broadcast %mul3A_320 : i32 to vector<16xi32>
      %mul3A_322 = arith.muli %get3A_317, %mul3A_321 : vector<16xi32>
      %add3A_323 = arith.addi %mul3A_322, %get3A_319 : vector<16xi32>
      %gather3A_324 = tpu.vector_load_idx %arg13[%get3A_317, %get3A_319] : memref<16x10xf32, #tpu.memory_space<vmem>>[vector<16xi32>, vector<16xi32>], vector<16xf32>,
      %gt3A_325 = arith.constant 3.000000e-01 : f32
      %gt3A_326 = vector.broadcast %gt3A_325 : f32 to vector<16xf32>
      %gt3A_327 = arith.cmpf ogt, %gather3A_324, %gt3A_326 : vector<16xf32>
      %jit3A_328 = arith.constant 0.000000e+00 : f32
      %jit3A_329 = arith.constant -1.000000e+00 : f32
      %broadcast_in_dim3A_330 = vector.broadcast %jit3A_328 : f32 to vector<16xf32>
      %broadcast_in_dim3A_331 = vector.broadcast %jit3A_329 : f32 to vector<16xf32>
      %select_n3A_332 = arith.select %gt3A_327, %broadcast_in_dim3A_330, %broadcast_in_dim3A_331 : vector<16xi1>, vector<16xf32>
      tpu.vector_store_idx %arg15[%add3A_323, %broadcast_in_dim3A_5], %gather3A_324 : memref<160x7xf32, #tpu.memory_space<vmem>>[vector<16xi32>, vector<16xi32>], vector<16xf32>,
      tpu.vector_store_idx %arg15[%add3A_323, %broadcast_in_dim3A_3], %select_n3A_332 : memref<160x7xf32, #tpu.memory_space<vmem>>[vector<16xi32>, vector<16xi32>], vector<16xf32>,
      %get3A_333 = arith.constant 48 : index
      %get3A_334 = tpu.vector_load %arg20[%get3A_333] {strides = array<i32>} : memref<160xi32, #tpu.memory_space<vmem>>, vector<16xi32>,
      %get3A_335 = arith.constant 48 : index
      %get3A_336 = tpu.vector_load %arg21[%get3A_335] {strides = array<i32>} : memref<160xi32, #tpu.memory_space<vmem>>, vector<16xi32>,
      %mul3A_337 = arith.constant 10 : i32
      %mul3A_338 = vector.broadcast %mul3A_337 : i32 to vector<16xi32>
      %mul3A_339 = arith.muli %get3A_334, %mul3A_338 : vector<16xi32>
      %add3A_340 = arith.addi %mul3A_339, %get3A_336 : vector<16xi32>
      %gather3A_341 = tpu.vector_load_idx %arg13[%get3A_334, %get3A_336] : memref<16x10xf32, #tpu.memory_space<vmem>>[vector<16xi32>, vector<16xi32>], vector<16xf32>,
      %gt3A_342 = arith.constant 3.000000e-01 : f32
      %gt3A_343 = vector.broadcast %gt3A_342 : f32 to vector<16xf32>
      %gt3A_344 = arith.cmpf ogt, %gather3A_341, %gt3A_343 : vector<16xf32>
      %jit3A_345 = arith.constant 0.000000e+00 : f32
      %jit3A_346 = arith.constant -1.000000e+00 : f32
      %broadcast_in_dim3A_347 = vector.broadcast %jit3A_345 : f32 to vector<16xf32>
      %broadcast_in_dim3A_348 = vector.broadcast %jit3A_346 : f32 to vector<16xf32>
      %select_n3A_349 = arith.select %gt3A_344, %broadcast_in_dim3A_347, %broadcast_in_dim3A_348 : vector<16xi1>, vector<16xf32>
      tpu.vector_store_idx %arg15[%add3A_340, %broadcast_in_dim3A_5], %gather3A_341 : memref<160x7xf32, #tpu.memory_space<vmem>>[vector<16xi32>, vector<16xi32>], vector<16xf32>,
      tpu.vector_store_idx %arg15[%add3A_340, %broadcast_in_dim3A_3], %select_n3A_349 : memref<160x7xf32, #tpu.memory_space<vmem>>[vector<16xi32>, vector<16xi32>], vector<16xf32>,
      %get3A_350 = arith.constant 64 : index
      %get3A_351 = tpu.vector_load %arg20[%get3A_350] {strides = array<i32>} : memref<160xi32, #tpu.memory_space<vmem>>, vector<16xi32>,
      %get3A_352 = arith.constant 64 : index
      %get3A_353 = tpu.vector_load %arg21[%get3A_352] {strides = array<i32>} : memref<160xi32, #tpu.memory_space<vmem>>, vector<16xi32>,
      %mul3A_354 = arith.constant 10 : i32
      %mul3A_355 = vector.broadcast %mul3A_354 : i32 to vector<16xi32>
      %mul3A_356 = arith.muli %get3A_351, %mul3A_355 : vector<16xi32>
      %add3A_357 = arith.addi %mul3A_356, %get3A_353 : vector<16xi32>
      %gather3A_358 = tpu.vector_load_idx %arg13[%get3A_351, %get3A_353] : memref<16x10xf32, #tpu.memory_space<vmem>>[vector<16xi32>, vector<16xi32>], vector<16xf32>,
      %gt3A_359 = arith.constant 3.000000e-01 : f32
      %gt3A_360 = vector.broadcast %gt3A_359 : f32 to vector<16xf32>
      %gt3A_361 = arith.cmpf ogt, %gather3A_358, %gt3A_360 : vector<16xf32>
      %jit3A_362 = arith.constant 0.000000e+00 : f32
      %jit3A_363 = arith.constant -1.000000e+00 : f32
      %broadcast_in_dim3A_364 = vector.broadcast %jit3A_362 : f32 to vector<16xf32>
      %broadcast_in_dim3A_365 = vector.broadcast %jit3A_363 : f32 to vector<16xf32>
      %select_n3A_366 = arith.select %gt3A_361, %broadcast_in_dim3A_364, %broadcast_in_dim3A_365 : vector<16xi1>, vector<16xf32>
      tpu.vector_store_idx %arg15[%add3A_357, %broadcast_in_dim3A_5], %gather3A_358 : memref<160x7xf32, #tpu.memory_space<vmem>>[vector<16xi32>, vector<16xi32>], vector<16xf32>,
      tpu.vector_store_idx %arg15[%add3A_357, %broadcast_in_dim3A_3], %select_n3A_366 : memref<160x7xf32, #tpu.memory_space<vmem>>[vector<16xi32>, vector<16xi32>], vector<16xf32>,
      %get3A_367 = arith.constant 80 : index
      %get3A_368 = tpu.vector_load %arg20[%get3A_367] {strides = array<i32>} : memref<160xi32, #tpu.memory_space<vmem>>, vector<16xi32>,
      %get3A_369 = arith.constant 80 : index
      %get3A_370 = tpu.vector_load %arg21[%get3A_369] {strides = array<i32>} : memref<160xi32, #tpu.memory_space<vmem>>, vector<16xi32>,
      %mul3A_371 = arith.constant 10 : i32
      %mul3A_372 = vector.broadcast %mul3A_371 : i32 to vector<16xi32>
      %mul3A_373 = arith.muli %get3A_368, %mul3A_372 : vector<16xi32>
      %add3A_374 = arith.addi %mul3A_373, %get3A_370 : vector<16xi32>
      %gather3A_375 = tpu.vector_load_idx %arg13[%get3A_368, %get3A_370] : memref<16x10xf32, #tpu.memory_space<vmem>>[vector<16xi32>, vector<16xi32>], vector<16xf32>,
      %gt3A_376 = arith.constant 3.000000e-01 : f32
      %gt3A_377 = vector.broadcast %gt3A_376 : f32 to vector<16xf32>
      %gt3A_378 = arith.cmpf ogt, %gather3A_375, %gt3A_377 : vector<16xf32>
      %jit3A_379 = arith.constant 0.000000e+00 : f32
      %jit3A_380 = arith.constant -1.000000e+00 : f32
      %broadcast_in_dim3A_381 = vector.broadcast %jit3A_379 : f32 to vector<16xf32>
      %broadcast_in_dim3A_382 = vector.broadcast %jit3A_380 : f32 to vector<16xf32>
      %select_n3A_383 = arith.select %gt3A_378, %broadcast_in_dim3A_381, %broadcast_in_dim3A_382 : vector<16xi1>, vector<16xf32>
      tpu.vector_store_idx %arg15[%add3A_374, %broadcast_in_dim3A_5], %gather3A_375 : memref<160x7xf32, #tpu.memory_space<vmem>>[vector<16xi32>, vector<16xi32>], vector<16xf32>,
      tpu.vector_store_idx %arg15[%add3A_374, %broadcast_in_dim3A_3], %select_n3A_383 : memref<160x7xf32, #tpu.memory_space<vmem>>[vector<16xi32>, vector<16xi32>], vector<16xf32>,
      %get3A_384 = arith.constant 96 : index
      %get3A_385 = tpu.vector_load %arg20[%get3A_384] {strides = array<i32>} : memref<160xi32, #tpu.memory_space<vmem>>, vector<16xi32>,
      %get3A_386 = arith.constant 96 : index
      %get3A_387 = tpu.vector_load %arg21[%get3A_386] {strides = array<i32>} : memref<160xi32, #tpu.memory_space<vmem>>, vector<16xi32>,
      %mul3A_388 = arith.constant 10 : i32
      %mul3A_389 = vector.broadcast %mul3A_388 : i32 to vector<16xi32>
      %mul3A_390 = arith.muli %get3A_385, %mul3A_389 : vector<16xi32>
      %add3A_391 = arith.addi %mul3A_390, %get3A_387 : vector<16xi32>
      %gather3A_392 = tpu.vector_load_idx %arg13[%get3A_385, %get3A_387] : memref<16x10xf32, #tpu.memory_space<vmem>>[vector<16xi32>, vector<16xi32>], vector<16xf32>,
      %gt3A_393 = arith.constant 3.000000e-01 : f32
      %gt3A_394 = vector.broadcast %gt3A_393 : f32 to vector<16xf32>
      %gt3A_395 = arith.cmpf ogt, %gather3A_392, %gt3A_394 : vector<16xf32>
      %jit3A_396 = arith.constant 0.000000e+00 : f32
      %jit3A_397 = arith.constant -1.000000e+00 : f32
      %broadcast_in_dim3A_398 = vector.broadcast %jit3A_396 : f32 to vector<16xf32>
      %broadcast_in_dim3A_399 = vector.broadcast %jit3A_397 : f32 to vector<16xf32>
      %select_n3A_400 = arith.select %gt3A_395, %broadcast_in_dim3A_398, %broadcast_in_dim3A_399 : vector<16xi1>, vector<16xf32>
      tpu.vector_store_idx %arg15[%add3A_391, %broadcast_in_dim3A_5], %gather3A_392 : memref<160x7xf32, #tpu.memory_space<vmem>>[vector<16xi32>, vector<16xi32>], vector<16xf32>,
      tpu.vector_store_idx %arg15[%add3A_391, %broadcast_in_dim3A_3], %select_n3A_400 : memref<160x7xf32, #tpu.memory_space<vmem>>[vector<16xi32>, vector<16xi32>], vector<16xf32>,
      %get3A_401 = arith.constant 112 : index
      %get3A_402 = tpu.vector_load %arg20[%get3A_401] {strides = array<i32>} : memref<160xi32, #tpu.memory_space<vmem>>, vector<16xi32>,
      %get3A_403 = arith.constant 112 : index
      %get3A_404 = tpu.vector_load %arg21[%get3A_403] {strides = array<i32>} : memref<160xi32, #tpu.memory_space<vmem>>, vector<16xi32>,
      %mul3A_405 = arith.constant 10 : i32
      %mul3A_406 = vector.broadcast %mul3A_405 : i32 to vector<16xi32>
      %mul3A_407 = arith.muli %get3A_402, %mul3A_406 : vector<16xi32>
      %add3A_408 = arith.addi %mul3A_407, %get3A_404 : vector<16xi32>
      %gather3A_409 = tpu.vector_load_idx %arg13[%get3A_402, %get3A_404] : memref<16x10xf32, #tpu.memory_space<vmem>>[vector<16xi32>, vector<16xi32>], vector<16xf32>,
      %gt3A_410 = arith.constant 3.000000e-01 : f32
      %gt3A_411 = vector.broadcast %gt3A_410 : f32 to vector<16xf32>
      %gt3A_412 = arith.cmpf ogt, %gather3A_409, %gt3A_411 : vector<16xf32>
      %jit3A_413 = arith.constant 0.000000e+00 : f32
      %jit3A_414 = arith.constant -1.000000e+00 : f32
      %broadcast_in_dim3A_415 = vector.broadcast %jit3A_413 : f32 to vector<16xf32>
      %broadcast_in_dim3A_416 = vector.broadcast %jit3A_414 : f32 to vector<16xf32>
      %select_n3A_417 = arith.select %gt3A_412, %broadcast_in_dim3A_415, %broadcast_in_dim3A_416 : vector<16xi1>, vector<16xf32>
      tpu.vector_store_idx %arg15[%add3A_408, %broadcast_in_dim3A_5], %gather3A_409 : memref<160x7xf32, #tpu.memory_space<vmem>>[vector<16xi32>, vector<16xi32>], vector<16xf32>,
      tpu.vector_store_idx %arg15[%add3A_408, %broadcast_in_dim3A_3], %select_n3A_417 : memref<160x7xf32, #tpu.memory_space<vmem>>[vector<16xi32>, vector<16xi32>], vector<16xf32>,
      %get3A_418 = arith.constant 128 : index
      %get3A_419 = tpu.vector_load %arg20[%get3A_418] {strides = array<i32>} : memref<160xi32, #tpu.memory_space<vmem>>, vector<16xi32>,
      %get3A_420 = arith.constant 128 : index
      %get3A_421 = tpu.vector_load %arg21[%get3A_420] {strides = array<i32>} : memref<160xi32, #tpu.memory_space<vmem>>, vector<16xi32>,
      %mul3A_422 = arith.constant 10 : i32
      %mul3A_423 = vector.broadcast %mul3A_422 : i32 to vector<16xi32>
      %mul3A_424 = arith.muli %get3A_419, %mul3A_423 : vector<16xi32>
      %add3A_425 = arith.addi %mul3A_424, %get3A_421 : vector<16xi32>
      %gather3A_426 = tpu.vector_load_idx %arg13[%get3A_419, %get3A_421] : memref<16x10xf32, #tpu.memory_space<vmem>>[vector<16xi32>, vector<16xi32>], vector<16xf32>,
      %gt3A_427 = arith.constant 3.000000e-01 : f32
      %gt3A_428 = vector.broadcast %gt3A_427 : f32 to vector<16xf32>
      %gt3A_429 = arith.cmpf ogt, %gather3A_426, %gt3A_428 : vector<16xf32>
      %jit3A_430 = arith.constant 0.000000e+00 : f32
      %jit3A_431 = arith.constant -1.000000e+00 : f32
      %broadcast_in_dim3A_432 = vector.broadcast %jit3A_430 : f32 to vector<16xf32>
      %broadcast_in_dim3A_433 = vector.broadcast %jit3A_431 : f32 to vector<16xf32>
      %select_n3A_434 = arith.select %gt3A_429, %broadcast_in_dim3A_432, %broadcast_in_dim3A_433 : vector<16xi1>, vector<16xf32>
      tpu.vector_store_idx %arg15[%add3A_425, %broadcast_in_dim3A_5], %gather3A_426 : memref<160x7xf32, #tpu.memory_space<vmem>>[vector<16xi32>, vector<16xi32>], vector<16xf32>,
      tpu.vector_store_idx %arg15[%add3A_425, %broadcast_in_dim3A_3], %select_n3A_434 : memref<160x7xf32, #tpu.memory_space<vmem>>[vector<16xi32>, vector<16xi32>], vector<16xf32>,
      %get3A_435 = arith.constant 144 : index
      %get3A_436 = tpu.vector_load %arg20[%get3A_435] {strides = array<i32>} : memref<160xi32, #tpu.memory_space<vmem>>, vector<16xi32>,
      %get3A_437 = arith.constant 144 : index
      %get3A_438 = tpu.vector_load %arg21[%get3A_437] {strides = array<i32>} : memref<160xi32, #tpu.memory_space<vmem>>, vector<16xi32>,
      %mul3A_439 = arith.constant 10 : i32
      %mul3A_440 = vector.broadcast %mul3A_439 : i32 to vector<16xi32>
      %mul3A_441 = arith.muli %get3A_436, %mul3A_440 : vector<16xi32>
      %add3A_442 = arith.addi %mul3A_441, %get3A_438 : vector<16xi32>
      %gather3A_443 = tpu.vector_load_idx %arg13[%get3A_436, %get3A_438] : memref<16x10xf32, #tpu.memory_space<vmem>>[vector<16xi32>, vector<16xi32>], vector<16xf32>,
      %gt3A_444 = arith.constant 3.000000e-01 : f32
      %gt3A_445 = vector.broadcast %gt3A_444 : f32 to vector<16xf32>
      %gt3A_446 = arith.cmpf ogt, %gather3A_443, %gt3A_445 : vector<16xf32>
      %jit3A_447 = arith.constant 0.000000e+00 : f32
      %jit3A_448 = arith.constant -1.000000e+00 : f32
      %broadcast_in_dim3A_449 = vector.broadcast %jit3A_447 : f32 to vector<16xf32>
      %broadcast_in_dim3A_450 = vector.broadcast %jit3A_448 : f32 to vector<16xf32>
      %select_n3A_451 = arith.select %gt3A_446, %broadcast_in_dim3A_449, %broadcast_in_dim3A_450 : vector<16xi1>, vector<16xf32>
      tpu.vector_store_idx %arg15[%add3A_442, %broadcast_in_dim3A_5], %gather3A_443 : memref<160x7xf32, #tpu.memory_space<vmem>>[vector<16xi32>, vector<16xi32>], vector<16xf32>,
      tpu.vector_store_idx %arg15[%add3A_442, %broadcast_in_dim3A_3], %select_n3A_451 : memref<160x7xf32, #tpu.memory_space<vmem>>[vector<16xi32>, vector<16xi32>], vector<16xf32>,
      "tpu.region"() ({
        %run_scoped3A = tpu.sem_alloc : memref<!tpu.dma_semaphore, #tpu.memory_space<semaphore_mem>>
        %dma_start3A = tpu.memref_reshape %arg15 : memref<160x7xf32, #tpu.memory_space<vmem>> -> memref<16x10x7xf32, #tpu.memory_space<vmem>>
        %dma_start3A_452 = arith.constant 0 : i32
        %dma_start3A_453 = arith.constant 0 : i32
        %dma_start3A_454 = tpu.memref_slice %arg11[%add3A_16, %dma_start3A_452, %dma_start3A_453] : memref<4096x10x7xf32, #tpu.memory_space<hbm>> -> memref<16x10x7xf32, #tpu.memory_space<hbm>>
        %dma_start3A_455 = arith.constant 0 : i32
        %dma_start3A_456 = arith.constant 0 : i32
        %dma_start3A_457 = tpu.memref_slice %arg11[%add3A_16, %dma_start3A_455, %dma_start3A_456] : memref<4096x10x7xf32, #tpu.memory_space<hbm>> -> memref<16x10x7xf32, #tpu.memory_space<hbm>>
        %dma_start3A_458 = tpu.memref_reshape %arg15 : memref<160x7xf32, #tpu.memory_space<vmem>> -> memref<16x10x7xf32, #tpu.memory_space<vmem>>
        tpu.enqueue_dma source(%dma_start3A_458 : memref<16x10x7xf32, #tpu.memory_space<vmem>>) target(%dma_start3A_457 : memref<16x10x7xf32, #tpu.memory_space<hbm>>) target_semaphore(%run_scoped3A : memref<!tpu.dma_semaphore, #tpu.memory_space<semaphore_mem>>)
        %dma_wait3A = tpu.memref_reshape %arg15 : memref<160x7xf32, #tpu.memory_space<vmem>> -> memref<16x10x7xf32, #tpu.memory_space<vmem>>
        %dma_wait3A_459 = arith.constant 0 : i32
        %dma_wait3A_460 = arith.constant 0 : i32
        %dma_wait3A_461 = tpu.memref_slice %arg11[%add3A_16, %dma_wait3A_459, %dma_wait3A_460] : memref<4096x10x7xf32, #tpu.memory_space<hbm>> -> memref<16x10x7xf32, #tpu.memory_space<hbm>>
        %dma_wait3A_462 = arith.constant 0 : i32
        %dma_wait3A_463 = arith.constant 0 : i32
        %dma_wait3A_464 = tpu.memref_slice %arg11[%add3A_16, %dma_wait3A_462, %dma_wait3A_463] : memref<4096x10x7xf32, #tpu.memory_space<hbm>> -> memref<16x10x7xf32, #tpu.memory_space<hbm>>
        %dma_wait3A_465 = tpu.memref_reshape %arg15 : memref<160x7xf32, #tpu.memory_space<vmem>> -> memref<16x10x7xf32, #tpu.memory_space<vmem>>
        tpu.wait_dma2 semaphore(%run_scoped3A : memref<!tpu.dma_semaphore, #tpu.memory_space<semaphore_mem>>) src(%dma_wait3A_465 : memref<16x10x7xf32, #tpu.memory_space<vmem>>) dst(%dma_wait3A_464 : memref<16x10x7xf32, #tpu.memory_space<hbm>>)
        tpu.yield
      }) : () -> ()
    }
    %scan3A_10 = arith.constant 8 : i32
    return
  }
}

</mosaic_0001>

<sc_bundles>
// kernel: kernel.3.cloned.1.call-start
scs
__scs_entry_jumppad:
0x0: {  	(pc) =	sbr.rel $0x88, $3  }
0x1: {  	(tag) =	ssettag $0x0;
	lr =	simm.s32 $0x1  }
0x2: {  	[smem:$0x3F9E] =	sst lr;
	_ =	strace $0xD0000000  }
0x3: {  	_ = 	snop  }
0x4: {  	_ = 	snop  }
0x5: {  	_ = 	snop  }
0x6: {  	_ = 	snop  }
0x7: {  	_ = 	snop  }
__scs_overlays_trampoline_lowered:
0x8: {  	[smem:$0x3FAD] =	sst s0  }
0x9: {  	[smem:$0x3FAE] =	sst s1  }
0xa: {  	[smem:$0x3FAF] =	sst s2  }
0xb: {  	[smem:$0x3FB0] =	sst s3  }
0xc: {  	[smem:$0x3FB1] =	sst s4  }
0xd: {  	[smem:$0x3FB2] =	sst s5  }
0xe: {  	[smem:$0x3FB3] =	sst s6  }
0xf: {  	[smem:$0x3FB4] =	sst s7  }
0x10: {  	[smem:$0x3FB5] =	sst s8  }
0x11: {  	[smem:$0x3FB6] =	sst s9;
	s0 =	simm.s32 @!p0 $0x0  }
0x12: {  	s1 =	sld [smem:$0x3F9C];
	s0 =	simm.s32 @p0 $0x1  }
0x13: {  	[smem:$0x3FB7] =	sst s0;
	s0 =	simm.s32 @!p1 $0x0  }
0x14: {  	s2 =	sld [smem:$0x3F9B];
	s0 =	simm.s32 @p1 $0x1  }
0x15: {  	[smem:$0x3FB8] =	sst s0;
	s0 =	simm.s32 @!p2 $0x0  }
0x16: {  	s3 =	sld [smem:$0x3FDB];
	s0 =	simm.s32 @p2 $0x1  }
0x17: {  	s4 =	simm.s32 $0x1BF5;
	[smem:$0x3FBA] =	sst s0  }
0x18: {  	s0 =	sld [smem:$0x3F9D];
	_ =	swait.ge [sflag:s4], $0x0  }
0x19: {  	s7 =	sld [smem:$0x3F9E]  }
0x1a: {  	s8 =	sadd.s32 $0xFFFFE003, lr  }
0x1b: {  	s9 =	sadd.s32 $0xFFFFFEF7, lr;
	s5 =	simm.s32 $0xFFFFFFFF;
	p2 =	slt.u32 s8, $0xFFFFF086  }
0x1c: {  	p1 =	slt.u32 s9, $0xF7A;
	s5 =	simm.s32 @!p2 $0x0  }
0x1d: {  	s5 =	simm.s32 @p1 $0x1;
	p0 =	seq.s32 s7, s2  }
0x1e: {  	s7 =	smul.u32 @!p0 $0xF7A, s2;
	p2 =	seq.s32 @!p0 s5, $0x0  }
0x1f: {  	s9 =	smul.u32 $0xF7A, s1;
	s8 =	simm.s32 @!p0 $0x1BF5;
	p2 =	por !p2, p0  }
0x20: {  	[sflag:s8] =	ssyncset.s32 @!p0 $0xFFFFF086;
	s6 =	sadd.s32 @!p0 s3, s7;
	s7 =	simm.s32 @!p0 $0x108  }
0x21: {  	s3 =	sadd.s32 s3, s9;
	s6 =	sadd.s32 @!p0 $0x88, s6;
	s7 =	simm.s32 @p2 $0x1082  }
0x22: {  	[simem:s7], [sflag:s8] =	dma.local @!p0 [hbm:s6], $0xF7A  }
0x23: {  	s9 =	sor.u32 $0xD0000000, s2;
	s6 =	simm.s32 $0x108;
	_ =	swait.ge @!p0 [sflag:s8], $0x0  }
0x24: {  	s3 =	sadd.s32 $0x88, s3;
	s6 =	simm.s32 @!p1 $0x1082;
	[sflag:s4] =	ssyncset.s32 $0xFFFFF086  }
0x25: {  	[simem:s6], [sflag:s4] =	dma.local [hbm:s3], $0xF7A  }
0x26: {  	[smem:$0x3F9E] =	sst s1;
	(tag) =	ssettag s2;
	_ =	strace s9  }
0x27: {  	s1 =	sld [smem:$0x3FAE]  }
0x28: {  	s2 =	sld [smem:$0x3FAF]  }
0x29: {  	s4 =	sld [smem:$0x3FB1]  }
0x2a: {  	p0 =	seq.s32 s5, $0x0;
	s5 =	sld [smem:$0x3FB2]  }
0x2b: {  	s6 =	sld [smem:$0x3FB3]  }
0x2c: {  	s7 =	sld [smem:$0x3FB4]  }
0x2d: {  	s3 =	simm.s32 $0x108;
	s8 =	sld [smem:$0x3FB5]  }
0x2e: {  	s3 =	simm.s32 @!p0 $0x1082;
	s9 =	sld [smem:$0x3FB6]  }
0x2f: {  	lr =	sadd.s32 s0, s3;
	s0 =	sld [smem:$0x3FAD]  }
0x30: {  	s3 =	sld [smem:$0x3FB0]  }
0x31: {  	[smem:$0x3FB9] =	sst s10  }
0x32: {  	s10 =	sld [smem:$0x3FB7];
	_ =	sdelay $0x3  }
0x33: {  	p0 =	seq.s32 s10, $0x1;
	s10 =	sld [smem:$0x3FB9];
	_ =	sdelay $0x3  }
0x34: {  	[smem:$0x3FB9] =	sst s10  }
0x35: {  	s10 =	sld [smem:$0x3FB8];
	_ =	sdelay $0x3  }
0x36: {  	p1 =	seq.s32 s10, $0x1;
	s10 =	sld [smem:$0x3FB9];
	_ =	sdelay $0x3  }
0x37: {  	[smem:$0x3FB9] =	sst s10  }
0x38: {  	s10 =	sld [smem:$0x3FBA]  }
0x39: {  	_ = 	snop;
	(pc) =	sbr.ind lr, $3  }
0x3a: {  	_ = 	snop  }
0x3b: {  	_ = 	snop  }
0x3c: {  	p2 =	seq.s32 s10, $0x1;
	s10 =	sld [smem:$0x3FB9]  }
0x3d: {  	_ =	shalt  }
0x3e: {  	_ =	shalt  }
0x3f: {  	_ =	shalt  }
0x40: {  	_ =	shalt  }
0x41: {  	_ =	shalt  }
0x42: {  	_ =	shalt  }
0x43: {  	_ =	shalt  }
0x44: {  	_ =	shalt  }
0x45: {  	_ =	shalt  }
0x46: {  	_ =	shalt  }
0x47: {  	_ =	shalt  }
0x48: {  	_ =	shalt  }
0x49: {  	_ =	shalt  }
0x4a: {  	_ =	shalt  }
0x4b: {  	_ =	shalt  }
0x4c: {  	_ =	shalt  }
0x4d: {  	_ =	shalt  }
0x4e: {  	_ =	shalt  }
0x4f: {  	_ =	shalt  }
0x50: {  	_ =	shalt  }
0x51: {  	_ =	shalt  }
0x52: {  	_ =	shalt  }
0x53: {  	_ =	shalt  }
0x54: {  	_ =	shalt  }
0x55: {  	_ =	shalt  }
0x56: {  	_ =	shalt  }
0x57: {  	_ =	shalt  }
0x58: {  	_ =	shalt  }
0x59: {  	_ =	shalt  }
0x5a: {  	_ =	shalt  }
0x5b: {  	_ =	shalt  }
0x5c: {  	_ =	shalt  }
0x5d: {  	_ =	shalt  }
0x5e: {  	_ =	shalt  }
0x5f: {  	_ =	shalt  }
0x60: {  	_ =	shalt  }
0x61: {  	_ =	shalt  }
0x62: {  	_ =	shalt  }
0x63: {  	_ =	shalt  }
0x64: {  	_ =	shalt  }
0x65: {  	_ =	shalt  }
0x66: {  	_ =	shalt  }
0x67: {  	_ =	shalt  }
0x68: {  	_ =	shalt  }
0x69: {  	_ =	shalt  }
0x6a: {  	_ =	shalt  }
0x6b: {  	_ =	shalt  }
0x6c: {  	_ =	shalt  }
0x6d: {  	_ =	shalt  }
0x6e: {  	_ =	shalt  }
0x6f: {  	_ =	shalt  }
0x70: {  	_ =	shalt  }
0x71: {  	_ =	shalt  }
0x72: {  	_ =	shalt  }
0x73: {  	_ =	shalt  }
0x74: {  	_ =	shalt  }
0x75: {  	_ =	shalt  }
0x76: {  	_ =	shalt  }
0x77: {  	_ =	shalt  }
0x78: {  	_ =	shalt  }
0x79: {  	_ =	shalt  }
0x7a: {  	_ =	shalt  }
0x7b: {  	_ =	shalt  }
0x7c: {  	_ =	shalt  }
0x7d: {  	_ =	shalt  }
0x7e: {  	_ =	shalt  }
0x7f: {  	_ =	shalt  }
0x80: {  	_ =	shalt  }
0x81: {  	_ =	shalt  }
0x82: {  	_ =	shalt  }
0x83: {  	_ =	shalt  }
0x84: {  	_ =	shalt  }
0x85: {  	_ =	shalt  }
0x86: {  	_ =	shalt  }
0x87: {  	_ =	shalt  }
.Lfunc_end0:
.L_simem_size_0:
called_computation_lowered:
.L_overlay_start_0:
0x88: {  	s2 =	sld [smem:$0x3FD9]  }
0x89: {  	s3 =	sld [smem:$0x3FFE];
	_ =	sdelay $0x1  }
0x8a: {  	s1 =	srdreg.scid  }
0x8b: {  	s0 =	sand.u32 $0x1, s1  }
0x8c: {  	s17 =	sshll.u32 s0, $0xA;
	s2 =	sadd.s32 s3, s2  }
0x8d: {  	s2 =	sadd.s32 s2, s17  }
0x8e: {  	[smem:$0x3FC5] =	sst s2  }
0x8f: {  	_ = 	snop  }
0x90: {  	s2 =	sld [smem:$0x3FD0];
	(tm) =	ssettm $0x1  }
0x91: {  	s18 =	sld [smem:$0x3FFB];
	_ =	sdelay $0x3  }
0x92: {  	_ =	strace s18  }
0x93: {  	s3 =	sld [smem:$0x3FFC];
	_ =	sdelay $0x3  }
0x94: {  	_ =	strace s3  }
0x95: {  	s3 =	sld [smem:$0x3FFD];
	_ =	sdelay $0x3  }
0x96: {  	_ =	strace s3  }
0x97: {  	_ =	strace $0x8FFFFFFF  }
0x98: {  	s19 =	sld [smem:$0x3FDB];
	_ =	sdelay $0x1  }
0x99: {  	s4 =	simm.s32 $_scs_section_size  }
0x9a: {  	s5 =	simm.s32 $_size__tile_overlayer_lowered;
	s6 =	simm.s32 $_tile_overlayer_lowered  }
0x9b: {  	s22 =	simm.s32 $0x1BFF;
	s21 =	sshll.u32 s6, $0x1;
	s3 =	sadd.s32 s4, s19  }
0x9c: {  	s7 =	simm.s32 $0x0;
	s20 =	sshll.u32 s5, $0x1;
	s5 =	sadd.s32 s21, s3  }
0x9d: {  	[timem:s7], [sflag:s22] =	dma.local [hbm:s5], s20  }
0x9e: {  	_ =	swait.ge [sflag:s22], s20  }
0x9f: {  	s4 =	ssub.s32 $0x0, s20;
	[sflag:s22] =	ssyncset.done $0x0  }
0xa0: {  	[sflag:s22] =	ssyncadd.s32 s4;
	_ =	sdelay $0x1  }
0xa1: {  	s23 =	simm.s32 $0x1B8B  }
0xa2: {  	_ =	swait.ge [sflag:s23], $0x1  }
0xa3: {  	[sflag:s23] =	ssyncset.done $0x0  }
0xa4: {  	s25 =	simm.s32 $0x1B8E;
	s24 =	sld [smem:$0x3FFE];
	[sflag:s23] =	ssyncadd.s32 $0xFFFFFFFF  }
0xa5: {  	s26 =	simm.s32 $execute0_lowered;
	[smem:$0x3FD2] =	sst s25  }
0xa6: {  	s5 =	sshll.u32 s26, $0x1;
	_ =	strace $0x80000046;
	[dreg:$0x1] =	wrdreg $0xFFFFFFFF  }
0xa7: {  	s28 =	simm.s32 $_size_execute0_lowered;
	s3 =	sadd.s32 s3, s5;
	[dreg:$0x0] =	wrdreg $0x0  }
0xa8: {  	s5 =	sshll.u32 s28, $0x1;
	[dreg:$0x2] =	wrdreg s3  }
0xa9: {  	[dreg:$0x3] =	wrdreg s5  }
0xaa: {  	[dreg:$0x4] =	wrdreg $0xC0  }
0xab: {  	_ =	task [dreg:s7], $0x5FFFF  }
0xac: {  	[dreg:$0x1] =	wrdreg $0xFFFFFFFF  }
0xad: {  	[dreg:$0x0] =	wrdreg $0x60  }
0xae: {  	[dreg:$0x2] =	wrdreg s24  }
0xaf: {  	[dreg:$0x3] =	wrdreg s2  }
0xb0: {  	[dreg:$0x4] =	wrdreg $0x9  }
0xb1: {  	_ =	task.clear_ibuf [dreg:s7], $0x5FFFF;
	_ =	strace $0x90000046  }
0xb2: {  	s29 =	simm.s32 $0x9;
	_ =	strace $0x80000048  }
0xb3: {  	_ =	swait.ge [sflag:s29], $0x1  }
0xb4: {  	[sflag:s29] =	ssyncadd.s32 $0xFFFFFFFF  }
0xb5: {  	_ =	strace $0x90000048  }
0xb6: {  	_ =	sfence  }
0xb7: {  	s30 =	sld [smem:$0x0];
	_ =	sdelay $0x2  }
0xb8: {  	s31 =	sshll.u32 s1, $0xD;
	s1 =	sshrl.u32 s1, $0x2  }
0xb9: {  	s3 =	sand.u32 $0x4000, s31;
	s1 =	sadd.s32 s1, s30  }
0xba: {  	s0 =	sor.u32 s3, s0;
	s1 =	sshll.u32 s1, $0x11  }
0xbb: {  	s0 =	sor.u32 s1, s0  }
0xbc: {  	s0 =	sadd.s32 $0x8F2B, s0  }
0xbd: {  	[sflag:s0] =	ssyncadd.remote.s32 $0x1  }
0xbe: {  	_ =	sfence.sel $0xFFFF  }
0xbf: {  	[dreg:$0x0] =	wrdreg $0xFFFFFFFF;
	(pc) =	sbr.abs _section_cstart, $3  }
0xc0: {  	[dreg:$0x1] =	wrdreg $0xFFFFFFFF  }
0xc1: {  	_ =	task.clear_ibuf [dreg:s7], $0x2FFFF;
	_ =	strace $0x9FFFFFFF  }
0xc2: {  	(tm) =	ssettm $0x7FFFFFFF  }
0xc3: {  	_ =	shalt  }
tec
execute0_lowered:
.L_overlay_start_1:
0x0: {  	(tag) =	ssettag $0x1  }
0x1: {  	s8 =	rddreg [dreg:$0x0]  }
0x2: {  	s2 =	rddreg [dreg:$0x1]  }
0x3: {  	s0 =	rddreg [dreg:$0x2];
	s3 =	simm.s32 $0x0  }
0x4: {  	s1 =	stileid.u32;
	s7 =	srdreg.scid;
	s15 =	simm.s32 $0x1  }
0x5: {  	s16 =	simm.s32 $0xFA00;
	s17 =	simm.s32 $0xFC00;
	s18 =	simm.s32 $0xFD80  }
0x6: {  	s19 =	simm.s32 $0xFF00;
	s20 =	simm.s32 $0x10000;
	s21 =	simm.s32 $0x500  }
0x7: {  	s22 =	simm.s32 $0x800;
	s23 =	simm.s32 $0x5000;
	s24 =	simm.s32 $0x5800  }
0x8: {  	s25 =	simm.s32 $0xA800;
	s26 =	simm.s32 $0x0;
	[smem:$0x7FF] =	sst s3  }
0x9: {  	s4 =	sshll.u32 s1, $0x10;
	s30 =	sshll.u32 s1, $0xC;
	s5 =	sadd.s32 $0x211800, s8  }
0xa: {  	s6 =	sadd.s32 $0x211600, s8;
	s11 =	sand.u32 $0x1, s7;
	s7 =	sadd.s32 $0x211400, s8  }
0xb: {  	_ =	strace $0x80000047;
	s9 =	sadd.s32 s4, s8;
	s10 =	sadd.s32 s30, s8  }
0xc: {  	s4 =	sadd.s32 $0x211A00, s8;
	s8 =	sadd.s32 $0x211200, s8;
	s12 =	ssub.s32 $0x2, s11  }
0xd: {  	s14 =	sshll.u32 s11, $0xB;
	s11 =	sshll.u32 s11, $0xF;
	s13 =	sshrl.u32 s12, $0x1  }
0xe: {  	s10 =	sadd.s32 s14, s10;
	s31 =	sadd.s32 s11, s9;
	s14 =	simm.s32 $0xF800  }
0xf: {  	s12 =	ssub.s32 s12, s13;
	s10 =	sadd.s32 $0x1200, s10;
	s11 =	sadd.s32 $0x211C00, s31  }
0x10: {  	v0 =	vimm.f32 $-1.000000000e+00;
	s13 =	sadd.s32 $0x11200, s31;
	s9 =	smax.u32 s12, $0x1;
	s12 =	sadd.s32 $0x111200, s31  }
.LBB2_1:
0x11: {  	[tilespmem:s14], [sflag:$0x1] =	stream.linear.gather [hbm4b:s2+s3], $0x200, $0x38;
	[tilespmem:$0x10100] =	vst v63  }
0x12: {  	_ =	swait.ge [sflag:s15], $0x200  }
0x13: {  	[sflag:s15] =	ssyncset.done $0x0  }
0x14: {  	[sflag:s15] =	ssyncadd.s32 $0xFFFFFE00  }
0x15: {  	[tilespmem:s16], [sflag:$0x1] =	stream.linear.gather [hbm4b:s4+s3], $0x200, $0x38;
	[tilespmem:$0x10100] =	vst v63  }
0x16: {  	_ =	swait.ge [sflag:s15], $0x200  }
0x17: {  	[sflag:s15] =	ssyncset.done $0x0  }
0x18: {  	[sflag:s15] =	ssyncadd.s32 $0xFFFFFE00  }
0x19: {  	[tilespmem:s17], [sflag:$0x1] =	stream.linear.gather [hbm4b:s5+s3], $0x180, $0x38;
	[tilespmem:$0x10100] =	vst v63  }
0x1a: {  	_ =	swait.ge [sflag:s15], $0x180  }
0x1b: {  	[sflag:s15] =	ssyncset.done $0x0  }
0x1c: {  	[sflag:s15] =	ssyncadd.s32 $0xFFFFFE80  }
0x1d: {  	[tilespmem:s18], [sflag:$0x1] =	stream.linear.gather [hbm4b:s6+s3], $0x180, $0x38;
	[tilespmem:$0x10100] =	vst v63  }
0x1e: {  	_ =	swait.ge [sflag:s15], $0x180  }
0x1f: {  	[sflag:s15] =	ssyncset.done $0x0  }
0x20: {  	[sflag:s15] =	ssyncadd.s32 $0xFFFFFE80  }
0x21: {  	[tilespmem:s19], [sflag:$0x1] =	stream.linear.gather [hbm4b:s7+s3], $0x100, $0x38;
	[tilespmem:$0x10100] =	vst v63  }
0x22: {  	_ =	swait.ge [sflag:s15], $0x100  }
0x23: {  	[sflag:s15] =	ssyncset.done $0x0  }
0x24: {  	[sflag:s15] =	ssyncadd.s32 $0xFFFFFF00  }
0x25: {  	[tilespmem:s20], [sflag:$0x1] =	stream.linear.gather [hbm4b:s8+s3], $0x100, $0x38;
	[tilespmem:$0x10100] =	vst v63  }
0x26: {  	_ =	swait.ge [sflag:s15], $0x100  }
0x27: {  	[sflag:s15] =	ssyncset.done $0x0  }
0x28: {  	s28 =	smov.u32 s10;
	s29 =	simm.s32 $0x0;
	[sflag:s15] =	ssyncadd.s32 $0xFFFFFF00  }
.LBB2_2:
0x29: {  	s30 =	sadd.s32 s29, s13  }
0x2a: {  	[tilespmem:s3], [sflag:$0x1] =	stream.strided.gather [hbm4b:s30+s21], $0x5000, s22, s21, $0x38;
	[tilespmem:$0x10100] =	vst v63  }
0x2b: {  	_ =	swait.ge [sflag:s15], $0x5000  }
0x2c: {  	[sflag:s15] =	ssyncset.done $0x0  }
0x2d: {  	[sflag:s15] =	ssyncadd.s32 $0xFFFFB000  }
0x2e: {  	[tilespmem:s23], [sflag:$0x1] =	stream.linear.gather [hbm4b:s28+s3], $0x800, $0x38;
	[tilespmem:$0x10100] =	vst v63  }
0x2f: {  	_ =	swait.ge [sflag:s15], $0x800  }
0x30: {  	[sflag:s15] =	ssyncset.done $0x0  }
0x31: {  	s31 =	sadd.s32 s29, s12;
	[sflag:s15] =	ssyncadd.s32 $0xFFFFF800  }
0x32: {  	[tilespmem:s24], [sflag:$0x1] =	stream.strided.gather [hbm4b:s31+s21], $0x5000, s22, s21, $0x38;
	[tilespmem:$0x10100] =	vst v63  }
0x33: {  	_ =	swait.ge [sflag:s15], $0x5000  }
0x34: {  	[sflag:s15] =	ssyncset.done $0x0  }
0x35: {  	[sflag:s15] =	ssyncadd.s32 $0xFFFFB000  }
0x36: {  	v1 =	vld [tilespmem:$0xF800]  }
0x37: {  	v2 =	vld [tilespmem:$0xFA00];
	_ =	sdelay $0x4  }
0x38: {  	v3 =	vand.u32 $0xFFFFFF80, v2;
	v1 =	vshll.u32 v1, $0x7  }
0x39: {  	v2 =	vand.u32 $0x7F, v2;
	v1 =	vadd.s32 v1, v3  }
0x3a: {  	v1 =	vor.u32 v2, v1;
	_ =	sdelay $0x4  }
0x3b: {  	v2 =	vld.idx.msk [tilespmem:v1+s3+$0x0], $0xffff;
	_ =	sdelay $0x4  }
0x3c: {  	[tilespmem:v1+s25+$0x0] =	vst.idx.msk $0xffff, v2  }
0x3d: {  	v1 =	vld [tilespmem:$0xF810]  }
0x3e: {  	v2 =	vld [tilespmem:$0xFA10];
	_ =	sdelay $0x4  }
0x3f: {  	v3 =	vand.u32 $0xFFFFFF80, v2;
	v1 =	vshll.u32 v1, $0x7  }
0x40: {  	v2 =	vand.u32 $0x7F, v2;
	v1 =	vadd.s32 v1, v3  }
0x41: {  	v1 =	vor.u32 v2, v1;
	_ =	sdelay $0x4  }
0x42: {  	v2 =	vld.idx.msk [tilespmem:v1+s3+$0x0], $0xffff;
	_ =	sdelay $0x4  }
0x43: {  	[tilespmem:v1+s25+$0x0] =	vst.idx.msk $0xffff, v2  }
0x44: {  	v1 =	vld [tilespmem:$0xF820]  }
0x45: {  	v2 =	vld [tilespmem:$0xFA20];
	_ =	sdelay $0x4  }
0x46: {  	v3 =	vand.u32 $0xFFFFFF80, v2;
	v1 =	vshll.u32 v1, $0x7  }
0x47: {  	v2 =	vand.u32 $0x7F, v2;
	v1 =	vadd.s32 v1, v3  }
0x48: {  	v1 =	vor.u32 v2, v1;
	_ =	sdelay $0x4  }
0x49: {  	v2 =	vld.idx.msk [tilespmem:v1+s3+$0x0], $0xffff;
	_ =	sdelay $0x4  }
0x4a: {  	[tilespmem:v1+s25+$0x0] =	vst.idx.msk $0xffff, v2  }
0x4b: {  	v1 =	vld [tilespmem:$0xF830]  }
0x4c: {  	v2 =	vld [tilespmem:$0xFA30];
	_ =	sdelay $0x4  }
0x4d: {  	v3 =	vand.u32 $0xFFFFFF80, v2;
	v1 =	vshll.u32 v1, $0x7  }
0x4e: {  	v2 =	vand.u32 $0x7F, v2;
	v1 =	vadd.s32 v1, v3  }
0x4f: {  	v1 =	vor.u32 v2, v1;
	_ =	sdelay $0x4  }
0x50: {  	v2 =	vld.idx.msk [tilespmem:v1+s3+$0x0], $0xffff;
	_ =	sdelay $0x4  }
0x51: {  	[tilespmem:v1+s25+$0x0] =	vst.idx.msk $0xffff, v2  }
0x52: {  	v1 =	vld [tilespmem:$0xF840]  }
0x53: {  	v2 =	vld [tilespmem:$0xFA40];
	_ =	sdelay $0x4  }
0x54: {  	v3 =	vand.u32 $0xFFFFFF80, v2;
	v1 =	vshll.u32 v1, $0x7  }
0x55: {  	v2 =	vand.u32 $0x7F, v2;
	v1 =	vadd.s32 v1, v3  }
0x56: {  	v1 =	vor.u32 v2, v1;
	_ =	sdelay $0x4  }
0x57: {  	v2 =	vld.idx.msk [tilespmem:v1+s3+$0x0], $0xffff;
	_ =	sdelay $0x4  }
0x58: {  	[tilespmem:v1+s25+$0x0] =	vst.idx.msk $0xffff, v2  }
0x59: {  	v1 =	vld [tilespmem:$0xF850]  }
0x5a: {  	v2 =	vld [tilespmem:$0xFA50];
	_ =	sdelay $0x4  }
0x5b: {  	v3 =	vand.u32 $0xFFFFFF80, v2;
	v1 =	vshll.u32 v1, $0x7  }
0x5c: {  	v2 =	vand.u32 $0x7F, v2;
	v1 =	vadd.s32 v1, v3  }
0x5d: {  	v1 =	vor.u32 v2, v1;
	_ =	sdelay $0x4  }
0x5e: {  	v2 =	vld.idx.msk [tilespmem:v1+s3+$0x0], $0xffff;
	_ =	sdelay $0x4  }
0x5f: {  	[tilespmem:v1+s25+$0x0] =	vst.idx.msk $0xffff, v2  }
0x60: {  	v1 =	vld [tilespmem:$0xF860]  }
0x61: {  	v2 =	vld [tilespmem:$0xFA60];
	_ =	sdelay $0x4  }
0x62: {  	v3 =	vand.u32 $0xFFFFFF80, v2;
	v1 =	vshll.u32 v1, $0x7  }
0x63: {  	v2 =	vand.u32 $0x7F, v2;
	v1 =	vadd.s32 v1, v3  }
0x64: {  	v1 =	vor.u32 v2, v1;
	_ =	sdelay $0x4  }
0x65: {  	v2 =	vld.idx.msk [tilespmem:v1+s3+$0x0], $0xffff;
	_ =	sdelay $0x4  }
0x66: {  	[tilespmem:v1+s25+$0x0] =	vst.idx.msk $0xffff, v2  }
0x67: {  	v1 =	vld [tilespmem:$0xF870]  }
0x68: {  	v2 =	vld [tilespmem:$0xFA70];
	_ =	sdelay $0x4  }
0x69: {  	v3 =	vand.u32 $0xFFFFFF80, v2;
	v1 =	vshll.u32 v1, $0x7  }
0x6a: {  	v2 =	vand.u32 $0x7F, v2;
	v1 =	vadd.s32 v1, v3  }
0x6b: {  	v1 =	vor.u32 v2, v1;
	_ =	sdelay $0x4  }
0x6c: {  	v2 =	vld.idx.msk [tilespmem:v1+s3+$0x0], $0xffff;
	_ =	sdelay $0x4  }
0x6d: {  	[tilespmem:v1+s25+$0x0] =	vst.idx.msk $0xffff, v2  }
0x6e: {  	v1 =	vld [tilespmem:$0xF880]  }
0x6f: {  	v2 =	vld [tilespmem:$0xFA80];
	_ =	sdelay $0x4  }
0x70: {  	v3 =	vand.u32 $0xFFFFFF80, v2;
	v1 =	vshll.u32 v1, $0x7  }
0x71: {  	v2 =	vand.u32 $0x7F, v2;
	v1 =	vadd.s32 v1, v3  }
0x72: {  	v1 =	vor.u32 v2, v1;
	_ =	sdelay $0x4  }
0x73: {  	v2 =	vld.idx.msk [tilespmem:v1+s3+$0x0], $0xffff;
	_ =	sdelay $0x4  }
0x74: {  	[tilespmem:v1+s25+$0x0] =	vst.idx.msk $0xffff, v2  }
0x75: {  	v1 =	vld [tilespmem:$0xF890]  }
0x76: {  	v2 =	vld [tilespmem:$0xFA90];
	_ =	sdelay $0x4  }
0x77: {  	v3 =	vand.u32 $0xFFFFFF80, v2;
	v1 =	vshll.u32 v1, $0x7  }
0x78: {  	v2 =	vand.u32 $0x7F, v2;
	v1 =	vadd.s32 v1, v3  }
0x79: {  	v1 =	vor.u32 v2, v1;
	_ =	sdelay $0x4  }
0x7a: {  	v2 =	vld.idx.msk [tilespmem:v1+s3+$0x0], $0xffff;
	_ =	sdelay $0x4  }
0x7b: {  	[tilespmem:v1+s25+$0x0] =	vst.idx.msk $0xffff, v2  }
0x7c: {  	v1 =	vld [tilespmem:$0xF8A0]  }
0x7d: {  	v2 =	vld [tilespmem:$0xFAA0];
	_ =	sdelay $0x4  }
0x7e: {  	v3 =	vand.u32 $0xFFFFFF80, v2;
	v1 =	vshll.u32 v1, $0x7  }
0x7f: {  	v2 =	vand.u32 $0x7F, v2;
	v1 =	vadd.s32 v1, v3  }
0x80: {  	v1 =	vor.u32 v2, v1;
	_ =	sdelay $0x4  }
0x81: {  	v2 =	vld.idx.msk [tilespmem:v1+s3+$0x0], $0xffff;
	_ =	sdelay $0x4  }
0x82: {  	[tilespmem:v1+s25+$0x0] =	vst.idx.msk $0xffff, v2  }
0x83: {  	v1 =	vld [tilespmem:$0xF8B0]  }
0x84: {  	v2 =	vld [tilespmem:$0xFAB0];
	_ =	sdelay $0x4  }
0x85: {  	v3 =	vand.u32 $0xFFFFFF80, v2;
	v1 =	vshll.u32 v1, $0x7  }
0x86: {  	v2 =	vand.u32 $0x7F, v2;
	v1 =	vadd.s32 v1, v3  }
0x87: {  	v1 =	vor.u32 v2, v1;
	_ =	sdelay $0x4  }
0x88: {  	v2 =	vld.idx.msk [tilespmem:v1+s3+$0x0], $0xffff;
	_ =	sdelay $0x4  }
0x89: {  	[tilespmem:v1+s25+$0x0] =	vst.idx.msk $0xffff, v2  }
0x8a: {  	v1 =	vld [tilespmem:$0xF8C0]  }
0x8b: {  	v2 =	vld [tilespmem:$0xFAC0];
	_ =	sdelay $0x4  }
0x8c: {  	v3 =	vand.u32 $0xFFFFFF80, v2;
	v1 =	vshll.u32 v1, $0x7  }
0x8d: {  	v2 =	vand.u32 $0x7F, v2;
	v1 =	vadd.s32 v1, v3  }
0x8e: {  	v1 =	vor.u32 v2, v1;
	_ =	sdelay $0x4  }
0x8f: {  	v2 =	vld.idx.msk [tilespmem:v1+s3+$0x0], $0xffff;
	_ =	sdelay $0x4  }
0x90: {  	[tilespmem:v1+s25+$0x0] =	vst.idx.msk $0xffff, v2  }
0x91: {  	v1 =	vld [tilespmem:$0xF8D0]  }
0x92: {  	v2 =	vld [tilespmem:$0xFAD0];
	_ =	sdelay $0x4  }
0x93: {  	v3 =	vand.u32 $0xFFFFFF80, v2;
	v1 =	vshll.u32 v1, $0x7  }
0x94: {  	v2 =	vand.u32 $0x7F, v2;
	v1 =	vadd.s32 v1, v3  }
0x95: {  	v1 =	vor.u32 v2, v1;
	_ =	sdelay $0x4  }
0x96: {  	v2 =	vld.idx.msk [tilespmem:v1+s3+$0x0], $0xffff;
	_ =	sdelay $0x4  }
0x97: {  	[tilespmem:v1+s25+$0x0] =	vst.idx.msk $0xffff, v2  }
0x98: {  	v1 =	vld [tilespmem:$0xF8E0]  }
0x99: {  	v2 =	vld [tilespmem:$0xFAE0];
	_ =	sdelay $0x4  }
0x9a: {  	v3 =	vand.u32 $0xFFFFFF80, v2;
	v1 =	vshll.u32 v1, $0x7  }
0x9b: {  	v2 =	vand.u32 $0x7F, v2;
	v1 =	vadd.s32 v1, v3  }
0x9c: {  	v1 =	vor.u32 v2, v1;
	_ =	sdelay $0x4  }
0x9d: {  	v2 =	vld.idx.msk [tilespmem:v1+s3+$0x0], $0xffff;
	_ =	sdelay $0x4  }
0x9e: {  	[tilespmem:v1+s25+$0x0] =	vst.idx.msk $0xffff, v2  }
0x9f: {  	v1 =	vld [tilespmem:$0xF8F0]  }
0xa0: {  	v2 =	vld [tilespmem:$0xFAF0];
	_ =	sdelay $0x4  }
0xa1: {  	v3 =	vand.u32 $0xFFFFFF80, v2;
	v1 =	vshll.u32 v1, $0x7  }
0xa2: {  	v2 =	vand.u32 $0x7F, v2;
	v1 =	vadd.s32 v1, v3  }
0xa3: {  	v1 =	vor.u32 v2, v1;
	_ =	sdelay $0x4  }
0xa4: {  	v2 =	vld.idx.msk [tilespmem:v1+s3+$0x0], $0xffff;
	_ =	sdelay $0x4  }
0xa5: {  	[tilespmem:v1+s25+$0x0] =	vst.idx.msk $0xffff, v2  }
0xa6: {  	v1 =	vld [tilespmem:$0xF900]  }
0xa7: {  	v2 =	vld [tilespmem:$0xFB00];
	_ =	sdelay $0x4  }
0xa8: {  	v3 =	vand.u32 $0xFFFFFF80, v2;
	v1 =	vshll.u32 v1, $0x7  }
0xa9: {  	v2 =	vand.u32 $0x7F, v2;
	v1 =	vadd.s32 v1, v3  }
0xaa: {  	v1 =	vor.u32 v2, v1;
	_ =	sdelay $0x4  }
0xab: {  	v2 =	vld.idx.msk [tilespmem:v1+s3+$0x0], $0xffff;
	_ =	sdelay $0x4  }
0xac: {  	[tilespmem:v1+s25+$0x0] =	vst.idx.msk $0xffff, v2  }
0xad: {  	v1 =	vld [tilespmem:$0xF910]  }
0xae: {  	v2 =	vld [tilespmem:$0xFB10];
	_ =	sdelay $0x4  }
0xaf: {  	v3 =	vand.u32 $0xFFFFFF80, v2;
	v1 =	vshll.u32 v1, $0x7  }
0xb0: {  	v2 =	vand.u32 $0x7F, v2;
	v1 =	vadd.s32 v1, v3  }
0xb1: {  	v1 =	vor.u32 v2, v1;
	_ =	sdelay $0x4  }
0xb2: {  	v2 =	vld.idx.msk [tilespmem:v1+s3+$0x0], $0xffff;
	_ =	sdelay $0x4  }
0xb3: {  	[tilespmem:v1+s25+$0x0] =	vst.idx.msk $0xffff, v2  }
0xb4: {  	v1 =	vld [tilespmem:$0xF920]  }
0xb5: {  	v2 =	vld [tilespmem:$0xFB20];
	_ =	sdelay $0x4  }
0xb6: {  	v3 =	vand.u32 $0xFFFFFF80, v2;
	v1 =	vshll.u32 v1, $0x7  }
0xb7: {  	v2 =	vand.u32 $0x7F, v2;
	v1 =	vadd.s32 v1, v3  }
0xb8: {  	v1 =	vor.u32 v2, v1;
	_ =	sdelay $0x4  }
0xb9: {  	v2 =	vld.idx.msk [tilespmem:v1+s3+$0x0], $0xffff;
	_ =	sdelay $0x4  }
0xba: {  	[tilespmem:v1+s25+$0x0] =	vst.idx.msk $0xffff, v2  }
0xbb: {  	v1 =	vld [tilespmem:$0xF930]  }
0xbc: {  	v2 =	vld [tilespmem:$0xFB30];
	_ =	sdelay $0x4  }
0xbd: {  	v3 =	vand.u32 $0xFFFFFF80, v2;
	v1 =	vshll.u32 v1, $0x7  }
0xbe: {  	v2 =	vand.u32 $0x7F, v2;
	v1 =	vadd.s32 v1, v3  }
0xbf: {  	v1 =	vor.u32 v2, v1;
	_ =	sdelay $0x4  }
0xc0: {  	v2 =	vld.idx.msk [tilespmem:v1+s3+$0x0], $0xffff;
	_ =	sdelay $0x4  }
0xc1: {  	[tilespmem:v1+s25+$0x0] =	vst.idx.msk $0xffff, v2  }
0xc2: {  	v1 =	vld [tilespmem:$0xF940]  }
0xc3: {  	v2 =	vld [tilespmem:$0xFB40];
	_ =	sdelay $0x4  }
0xc4: {  	v3 =	vand.u32 $0xFFFFFF80, v2;
	v1 =	vshll.u32 v1, $0x7  }
0xc5: {  	v2 =	vand.u32 $0x7F, v2;
	v1 =	vadd.s32 v1, v3  }
0xc6: {  	v1 =	vor.u32 v2, v1;
	_ =	sdelay $0x4  }
0xc7: {  	v2 =	vld.idx.msk [tilespmem:v1+s3+$0x0], $0xffff;
	_ =	sdelay $0x4  }
0xc8: {  	[tilespmem:v1+s25+$0x0] =	vst.idx.msk $0xffff, v2  }
0xc9: {  	v1 =	vld [tilespmem:$0xF950]  }
0xca: {  	v2 =	vld [tilespmem:$0xFB50];
	_ =	sdelay $0x4  }
0xcb: {  	v3 =	vand.u32 $0xFFFFFF80, v2;
	v1 =	vshll.u32 v1, $0x7  }
0xcc: {  	v2 =	vand.u32 $0x7F, v2;
	v1 =	vadd.s32 v1, v3  }
0xcd: {  	v1 =	vor.u32 v2, v1;
	_ =	sdelay $0x4  }
0xce: {  	v2 =	vld.idx.msk [tilespmem:v1+s3+$0x0], $0xffff;
	_ =	sdelay $0x4  }
0xcf: {  	[tilespmem:v1+s25+$0x0] =	vst.idx.msk $0xffff, v2  }
0xd0: {  	v1 =	vld [tilespmem:$0xF960]  }
0xd1: {  	v2 =	vld [tilespmem:$0xFB60];
	_ =	sdelay $0x4  }
0xd2: {  	v3 =	vand.u32 $0xFFFFFF80, v2;
	v1 =	vshll.u32 v1, $0x7  }
0xd3: {  	v2 =	vand.u32 $0x7F, v2;
	v1 =	vadd.s32 v1, v3  }
0xd4: {  	v1 =	vor.u32 v2, v1;
	_ =	sdelay $0x4  }
0xd5: {  	v2 =	vld.idx.msk [tilespmem:v1+s3+$0x0], $0xffff;
	_ =	sdelay $0x4  }
0xd6: {  	[tilespmem:v1+s25+$0x0] =	vst.idx.msk $0xffff, v2  }
0xd7: {  	v1 =	vld [tilespmem:$0xF970]  }
0xd8: {  	v2 =	vld [tilespmem:$0xFB70];
	_ =	sdelay $0x4  }
0xd9: {  	v3 =	vand.u32 $0xFFFFFF80, v2;
	v1 =	vshll.u32 v1, $0x7  }
0xda: {  	v2 =	vand.u32 $0x7F, v2;
	v1 =	vadd.s32 v1, v3  }
0xdb: {  	v1 =	vor.u32 v2, v1;
	_ =	sdelay $0x4  }
0xdc: {  	v2 =	vld.idx.msk [tilespmem:v1+s3+$0x0], $0xffff;
	_ =	sdelay $0x4  }
0xdd: {  	[tilespmem:v1+s25+$0x0] =	vst.idx.msk $0xffff, v2  }
0xde: {  	v1 =	vld [tilespmem:$0xF980]  }
0xdf: {  	v2 =	vld [tilespmem:$0xFB80];
	_ =	sdelay $0x4  }
0xe0: {  	v3 =	vand.u32 $0xFFFFFF80, v2;
	v1 =	vshll.u32 v1, $0x7  }
0xe1: {  	v2 =	vand.u32 $0x7F, v2;
	v1 =	vadd.s32 v1, v3  }
0xe2: {  	v1 =	vor.u32 v2, v1;
	_ =	sdelay $0x4  }
0xe3: {  	v2 =	vld.idx.msk [tilespmem:v1+s3+$0x0], $0xffff;
	_ =	sdelay $0x4  }
0xe4: {  	[tilespmem:v1+s25+$0x0] =	vst.idx.msk $0xffff, v2  }
0xe5: {  	v1 =	vld [tilespmem:$0xF990]  }
0xe6: {  	v2 =	vld [tilespmem:$0xFB90];
	_ =	sdelay $0x4  }
0xe7: {  	v3 =	vand.u32 $0xFFFFFF80, v2;
	v1 =	vshll.u32 v1, $0x7  }
0xe8: {  	v2 =	vand.u32 $0x7F, v2;
	v1 =	vadd.s32 v1, v3  }
0xe9: {  	v1 =	vor.u32 v2, v1;
	_ =	sdelay $0x4  }
0xea: {  	v2 =	vld.idx.msk [tilespmem:v1+s3+$0x0], $0xffff;
	_ =	sdelay $0x4  }
0xeb: {  	[tilespmem:v1+s25+$0x0] =	vst.idx.msk $0xffff, v2  }
0xec: {  	v1 =	vld [tilespmem:$0xF9A0]  }
0xed: {  	v2 =	vld [tilespmem:$0xFBA0];
	_ =	sdelay $0x4  }
0xee: {  	v3 =	vand.u32 $0xFFFFFF80, v2;
	v1 =	vshll.u32 v1, $0x7  }
0xef: {  	v2 =	vand.u32 $0x7F, v2;
	v1 =	vadd.s32 v1, v3  }
0xf0: {  	v1 =	vor.u32 v2, v1;
	_ =	sdelay $0x4  }
0xf1: {  	v2 =	vld.idx.msk [tilespmem:v1+s3+$0x0], $0xffff;
	_ =	sdelay $0x4  }
0xf2: {  	[tilespmem:v1+s25+$0x0] =	vst.idx.msk $0xffff, v2  }
0xf3: {  	v1 =	vld [tilespmem:$0xF9B0]  }
0xf4: {  	v2 =	vld [tilespmem:$0xFBB0];
	_ =	sdelay $0x4  }
0xf5: {  	v3 =	vand.u32 $0xFFFFFF80, v2;
	v1 =	vshll.u32 v1, $0x7  }
0xf6: {  	v2 =	vand.u32 $0x7F, v2;
	v1 =	vadd.s32 v1, v3  }
0xf7: {  	v1 =	vor.u32 v2, v1;
	_ =	sdelay $0x4  }
0xf8: {  	v2 =	vld.idx.msk [tilespmem:v1+s3+$0x0], $0xffff;
	_ =	sdelay $0x4  }
0xf9: {  	[tilespmem:v1+s25+$0x0] =	vst.idx.msk $0xffff, v2  }
0xfa: {  	v1 =	vld [tilespmem:$0xF9C0]  }
0xfb: {  	v2 =	vld [tilespmem:$0xFBC0];
	_ =	sdelay $0x4  }
0xfc: {  	v3 =	vand.u32 $0xFFFFFF80, v2;
	v1 =	vshll.u32 v1, $0x7  }
0xfd: {  	v2 =	vand.u32 $0x7F, v2;
	v1 =	vadd.s32 v1, v3  }
0xfe: {  	v1 =	vor.u32 v2, v1;
	_ =	sdelay $0x4  }
0xff: {  	v2 =	vld.idx.msk [tilespmem:v1+s3+$0x0], $0xffff;
	_ =	sdelay $0x4  }
0x100: {  	[tilespmem:v1+s25+$0x0] =	vst.idx.msk $0xffff, v2  }
0x101: {  	v1 =	vld [tilespmem:$0xF9D0]  }
0x102: {  	v2 =	vld [tilespmem:$0xFBD0];
	_ =	sdelay $0x4  }
0x103: {  	v3 =	vand.u32 $0xFFFFFF80, v2;
	v1 =	vshll.u32 v1, $0x7  }
0x104: {  	v2 =	vand.u32 $0x7F, v2;
	v1 =	vadd.s32 v1, v3  }
0x105: {  	v1 =	vor.u32 v2, v1;
	_ =	sdelay $0x4  }
0x106: {  	v2 =	vld.idx.msk [tilespmem:v1+s3+$0x0], $0xffff;
	_ =	sdelay $0x4  }
0x107: {  	[tilespmem:v1+s25+$0x0] =	vst.idx.msk $0xffff, v2  }
0x108: {  	v1 =	vld [tilespmem:$0xFC00]  }
0x109: {  	v2 =	vld [tilespmem:$0xFD80];
	_ =	sdelay $0x4  }
0x10a: {  	v3 =	vand.u32 $0xFFFFFF80, v2;
	v1 =	vshll.u32 v1, $0x7  }
0x10b: {  	v4 =	vand.u32 $0x7F, v2;
	v3 =	vadd.s32 v1, v3  }
0x10c: {  	v3 =	vor.u32 v4, v3;
	_ =	sdelay $0x1  }
0x10d: {  	v2 =	vadd.s32 $0x5, v2  }
0x10e: {  	v51 =	vand.u32 $0xFFFFFF80, v2  }
0x10f: {  	v2 =	vand.u32 $0x7F, v2;
	v1 =	vadd.s32 v1, v51  }
0x110: {  	v1 =	vor.u32 v2, v1;
	v3 =	vld.idx.msk [tilespmem:v3+s24+$0x0], $0xffff;
	_ =	sdelay $0x4  }
0x111: {  	[tilespmem:v1+s25+$0x0] =	vst.idx.msk $0xffff, v3  }
0x112: {  	v1 =	vld [tilespmem:$0xFC10]  }
0x113: {  	v2 =	vld [tilespmem:$0xFD90];
	_ =	sdelay $0x4  }
0x114: {  	v3 =	vand.u32 $0xFFFFFF80, v2;
	v1 =	vshll.u32 v1, $0x7  }
0x115: {  	v52 =	vand.u32 $0x7F, v2;
	v3 =	vadd.s32 v1, v3  }
0x116: {  	v3 =	vor.u32 v52, v3;
	_ =	sdelay $0x1  }
0x117: {  	v2 =	vadd.s32 $0x5, v2  }
0x118: {  	v53 =	vand.u32 $0xFFFFFF80, v2  }
0x119: {  	v2 =	vand.u32 $0x7F, v2;
	v1 =	vadd.s32 v1, v53  }
0x11a: {  	v1 =	vor.u32 v2, v1;
	v3 =	vld.idx.msk [tilespmem:v3+s24+$0x0], $0xffff;
	_ =	sdelay $0x4  }
0x11b: {  	[tilespmem:v1+s25+$0x0] =	vst.idx.msk $0xffff, v3  }
0x11c: {  	v1 =	vld [tilespmem:$0xFC20]  }
0x11d: {  	v2 =	vld [tilespmem:$0xFDA0];
	_ =	sdelay $0x4  }
0x11e: {  	v3 =	vand.u32 $0xFFFFFF80, v2;
	v1 =	vshll.u32 v1, $0x7  }
0x11f: {  	v54 =	vand.u32 $0x7F, v2;
	v3 =	vadd.s32 v1, v3  }
0x120: {  	v3 =	vor.u32 v54, v3;
	_ =	sdelay $0x1  }
0x121: {  	v2 =	vadd.s32 $0x5, v2  }
0x122: {  	v55 =	vand.u32 $0xFFFFFF80, v2  }
0x123: {  	v2 =	vand.u32 $0x7F, v2;
	v1 =	vadd.s32 v1, v55  }
0x124: {  	v1 =	vor.u32 v2, v1;
	v3 =	vld.idx.msk [tilespmem:v3+s24+$0x0], $0xffff;
	_ =	sdelay $0x4  }
0x125: {  	[tilespmem:v1+s25+$0x0] =	vst.idx.msk $0xffff, v3  }
0x126: {  	v1 =	vld [tilespmem:$0xFC30]  }
0x127: {  	v2 =	vld [tilespmem:$0xFDB0];
	_ =	sdelay $0x4  }
0x128: {  	v3 =	vand.u32 $0xFFFFFF80, v2;
	v1 =	vshll.u32 v1, $0x7  }
0x129: {  	v56 =	vand.u32 $0x7F, v2;
	v3 =	vadd.s32 v1, v3  }
0x12a: {  	v3 =	vor.u32 v56, v3;
	_ =	sdelay $0x1  }
0x12b: {  	v2 =	vadd.s32 $0x5, v2  }
0x12c: {  	v57 =	vand.u32 $0xFFFFFF80, v2  }
0x12d: {  	v2 =	vand.u32 $0x7F, v2;
	v1 =	vadd.s32 v1, v57  }
0x12e: {  	v1 =	vor.u32 v2, v1;
	v3 =	vld.idx.msk [tilespmem:v3+s24+$0x0], $0xffff;
	_ =	sdelay $0x4  }
0x12f: {  	[tilespmem:v1+s25+$0x0] =	vst.idx.msk $0xffff, v3  }
0x130: {  	v1 =	vld [tilespmem:$0xFC40]  }
0x131: {  	v2 =	vld [tilespmem:$0xFDC0];
	_ =	sdelay $0x4  }
0x132: {  	v3 =	vand.u32 $0xFFFFFF80, v2;
	v1 =	vshll.u32 v1, $0x7  }
0x133: {  	v58 =	vand.u32 $0x7F, v2;
	v3 =	vadd.s32 v1, v3  }
0x134: {  	v3 =	vor.u32 v58, v3;
	_ =	sdelay $0x1  }
0x135: {  	v2 =	vadd.s32 $0x5, v2  }
0x136: {  	v59 =	vand.u32 $0xFFFFFF80, v2  }
0x137: {  	v2 =	vand.u32 $0x7F, v2;
	v1 =	vadd.s32 v1, v59  }
0x138: {  	v1 =	vor.u32 v2, v1;
	v3 =	vld.idx.msk [tilespmem:v3+s24+$0x0], $0xffff;
	_ =	sdelay $0x4  }
0x139: {  	[tilespmem:v1+s25+$0x0] =	vst.idx.msk $0xffff, v3  }
0x13a: {  	v1 =	vld [tilespmem:$0xFC50]  }
0x13b: {  	v2 =	vld [tilespmem:$0xFDD0];
	_ =	sdelay $0x4  }
0x13c: {  	v3 =	vand.u32 $0xFFFFFF80, v2;
	v1 =	vshll.u32 v1, $0x7  }
0x13d: {  	v60 =	vand.u32 $0x7F, v2;
	v3 =	vadd.s32 v1, v3  }
0x13e: {  	v3 =	vor.u32 v60, v3;
	_ =	sdelay $0x1  }
0x13f: {  	v2 =	vadd.s32 $0x5, v2  }
0x140: {  	v61 =	vand.u32 $0xFFFFFF80, v2  }
0x141: {  	v2 =	vand.u32 $0x7F, v2;
	v1 =	vadd.s32 v1, v61  }
0x142: {  	v1 =	vor.u32 v2, v1;
	v3 =	vld.idx.msk [tilespmem:v3+s24+$0x0], $0xffff;
	_ =	sdelay $0x4  }
0x143: {  	[tilespmem:v1+s25+$0x0] =	vst.idx.msk $0xffff, v3  }
0x144: {  	v1 =	vld [tilespmem:$0xFC60]  }
0x145: {  	v2 =	vld [tilespmem:$0xFDE0];
	_ =	sdelay $0x4  }
0x146: {  	v3 =	vand.u32 $0xFFFFFF80, v2;
	v1 =	vshll.u32 v1, $0x7  }
0x147: {  	v62 =	vand.u32 $0x7F, v2;
	v3 =	vadd.s32 v1, v3  }
0x148: {  	v3 =	vor.u32 v62, v3;
	_ =	sdelay $0x1  }
0x149: {  	v2 =	vadd.s32 $0x5, v2  }
0x14a: {  	v63 =	vand.u32 $0xFFFFFF80, v2  }
0x14b: {  	v2 =	vand.u32 $0x7F, v2;
	v1 =	vadd.s32 v1, v63  }
0x14c: {  	v1 =	vor.u32 v2, v1;
	v3 =	vld.idx.msk [tilespmem:v3+s24+$0x0], $0xffff;
	_ =	sdelay $0x4  }
0x14d: {  	[tilespmem:v1+s25+$0x0] =	vst.idx.msk $0xffff, v3  }
0x14e: {  	v1 =	vld [tilespmem:$0xFC70]  }
0x14f: {  	v2 =	vld [tilespmem:$0xFDF0];
	_ =	sdelay $0x4  }
0x150: {  	v3 =	vand.u32 $0xFFFFFF80, v2;
	v1 =	vshll.u32 v1, $0x7  }
0x151: {  	v8 =	vand.u32 $0x7F, v2;
	v3 =	vadd.s32 v1, v3  }
0x152: {  	v3 =	vor.u32 v8, v3;
	_ =	sdelay $0x1  }
0x153: {  	v2 =	vadd.s32 $0x5, v2  }
0x154: {  	v9 =	vand.u32 $0xFFFFFF80, v2  }
0x155: {  	v2 =	vand.u32 $0x7F, v2;
	v1 =	vadd.s32 v1, v9  }
0x156: {  	v1 =	vor.u32 v2, v1;
	v3 =	vld.idx.msk [tilespmem:v3+s24+$0x0], $0xffff;
	_ =	sdelay $0x4  }
0x157: {  	[tilespmem:v1+s25+$0x0] =	vst.idx.msk $0xffff, v3  }
0x158: {  	v1 =	vld [tilespmem:$0xFC80]  }
0x159: {  	v2 =	vld [tilespmem:$0xFE00];
	_ =	sdelay $0x4  }
0x15a: {  	v3 =	vand.u32 $0xFFFFFF80, v2;
	v1 =	vshll.u32 v1, $0x7  }
0x15b: {  	v10 =	vand.u32 $0x7F, v2;
	v3 =	vadd.s32 v1, v3  }
0x15c: {  	v3 =	vor.u32 v10, v3;
	_ =	sdelay $0x1  }
0x15d: {  	v2 =	vadd.s32 $0x5, v2  }
0x15e: {  	v11 =	vand.u32 $0xFFFFFF80, v2  }
0x15f: {  	v2 =	vand.u32 $0x7F, v2;
	v1 =	vadd.s32 v1, v11  }
0x160: {  	v1 =	vor.u32 v2, v1;
	v3 =	vld.idx.msk [tilespmem:v3+s24+$0x0], $0xffff;
	_ =	sdelay $0x4  }
0x161: {  	[tilespmem:v1+s25+$0x0] =	vst.idx.msk $0xffff, v3  }
0x162: {  	v1 =	vld [tilespmem:$0xFC90]  }
0x163: {  	v2 =	vld [tilespmem:$0xFE10];
	_ =	sdelay $0x4  }
0x164: {  	v3 =	vand.u32 $0xFFFFFF80, v2;
	v1 =	vshll.u32 v1, $0x7  }
0x165: {  	v12 =	vand.u32 $0x7F, v2;
	v3 =	vadd.s32 v1, v3  }
0x166: {  	v3 =	vor.u32 v12, v3;
	_ =	sdelay $0x1  }
0x167: {  	v2 =	vadd.s32 $0x5, v2  }
0x168: {  	v13 =	vand.u32 $0xFFFFFF80, v2  }
0x169: {  	v2 =	vand.u32 $0x7F, v2;
	v1 =	vadd.s32 v1, v13  }
0x16a: {  	v1 =	vor.u32 v2, v1;
	v3 =	vld.idx.msk [tilespmem:v3+s24+$0x0], $0xffff;
	_ =	sdelay $0x4  }
0x16b: {  	[tilespmem:v1+s25+$0x0] =	vst.idx.msk $0xffff, v3  }
0x16c: {  	v1 =	vld [tilespmem:$0xFCA0]  }
0x16d: {  	v2 =	vld [tilespmem:$0xFE20];
	_ =	sdelay $0x4  }
0x16e: {  	v3 =	vand.u32 $0xFFFFFF80, v2;
	v1 =	vshll.u32 v1, $0x7  }
0x16f: {  	v14 =	vand.u32 $0x7F, v2;
	v3 =	vadd.s32 v1, v3  }
0x170: {  	v3 =	vor.u32 v14, v3;
	_ =	sdelay $0x1  }
0x171: {  	v2 =	vadd.s32 $0x5, v2  }
0x172: {  	v15 =	vand.u32 $0xFFFFFF80, v2  }
0x173: {  	v2 =	vand.u32 $0x7F, v2;
	v1 =	vadd.s32 v1, v15  }
0x174: {  	v1 =	vor.u32 v2, v1;
	v3 =	vld.idx.msk [tilespmem:v3+s24+$0x0], $0xffff;
	_ =	sdelay $0x4  }
0x175: {  	[tilespmem:v1+s25+$0x0] =	vst.idx.msk $0xffff, v3  }
0x176: {  	v1 =	vld [tilespmem:$0xFCB0]  }
0x177: {  	v2 =	vld [tilespmem:$0xFE30];
	_ =	sdelay $0x4  }
0x178: {  	v3 =	vand.u32 $0xFFFFFF80, v2;
	v1 =	vshll.u32 v1, $0x7  }
0x179: {  	v16 =	vand.u32 $0x7F, v2;
	v3 =	vadd.s32 v1, v3  }
0x17a: {  	v3 =	vor.u32 v16, v3;
	_ =	sdelay $0x1  }
0x17b: {  	v2 =	vadd.s32 $0x5, v2  }
0x17c: {  	v17 =	vand.u32 $0xFFFFFF80, v2  }
0x17d: {  	v2 =	vand.u32 $0x7F, v2;
	v1 =	vadd.s32 v1, v17  }
0x17e: {  	v1 =	vor.u32 v2, v1;
	v3 =	vld.idx.msk [tilespmem:v3+s24+$0x0], $0xffff;
	_ =	sdelay $0x4  }
0x17f: {  	[tilespmem:v1+s25+$0x0] =	vst.idx.msk $0xffff, v3  }
0x180: {  	v1 =	vld [tilespmem:$0xFCC0]  }
0x181: {  	v2 =	vld [tilespmem:$0xFE40];
	_ =	sdelay $0x4  }
0x182: {  	v3 =	vand.u32 $0xFFFFFF80, v2;
	v1 =	vshll.u32 v1, $0x7  }
0x183: {  	v18 =	vand.u32 $0x7F, v2;
	v3 =	vadd.s32 v1, v3  }
0x184: {  	v3 =	vor.u32 v18, v3;
	_ =	sdelay $0x1  }
0x185: {  	v2 =	vadd.s32 $0x5, v2  }
0x186: {  	v19 =	vand.u32 $0xFFFFFF80, v2  }
0x187: {  	v2 =	vand.u32 $0x7F, v2;
	v1 =	vadd.s32 v1, v19  }
0x188: {  	v1 =	vor.u32 v2, v1;
	v3 =	vld.idx.msk [tilespmem:v3+s24+$0x0], $0xffff;
	_ =	sdelay $0x4  }
0x189: {  	[tilespmem:v1+s25+$0x0] =	vst.idx.msk $0xffff, v3  }
0x18a: {  	v1 =	vld [tilespmem:$0xFCD0]  }
0x18b: {  	v2 =	vld [tilespmem:$0xFE50];
	_ =	sdelay $0x4  }
0x18c: {  	v3 =	vand.u32 $0xFFFFFF80, v2;
	v1 =	vshll.u32 v1, $0x7  }
0x18d: {  	v20 =	vand.u32 $0x7F, v2;
	v3 =	vadd.s32 v1, v3  }
0x18e: {  	v3 =	vor.u32 v20, v3;
	_ =	sdelay $0x1  }
0x18f: {  	v2 =	vadd.s32 $0x5, v2  }
0x190: {  	v21 =	vand.u32 $0xFFFFFF80, v2  }
0x191: {  	v2 =	vand.u32 $0x7F, v2;
	v1 =	vadd.s32 v1, v21  }
0x192: {  	v1 =	vor.u32 v2, v1;
	v3 =	vld.idx.msk [tilespmem:v3+s24+$0x0], $0xffff;
	_ =	sdelay $0x4  }
0x193: {  	[tilespmem:v1+s25+$0x0] =	vst.idx.msk $0xffff, v3  }
0x194: {  	v1 =	vld [tilespmem:$0xFCE0]  }
0x195: {  	v2 =	vld [tilespmem:$0xFE60];
	_ =	sdelay $0x4  }
0x196: {  	v3 =	vand.u32 $0xFFFFFF80, v2;
	v1 =	vshll.u32 v1, $0x7  }
0x197: {  	v22 =	vand.u32 $0x7F, v2;
	v3 =	vadd.s32 v1, v3  }
0x198: {  	v3 =	vor.u32 v22, v3;
	_ =	sdelay $0x1  }
0x199: {  	v2 =	vadd.s32 $0x5, v2  }
0x19a: {  	v23 =	vand.u32 $0xFFFFFF80, v2  }
0x19b: {  	v2 =	vand.u32 $0x7F, v2;
	v1 =	vadd.s32 v1, v23  }
0x19c: {  	v1 =	vor.u32 v2, v1;
	v3 =	vld.idx.msk [tilespmem:v3+s24+$0x0], $0xffff;
	_ =	sdelay $0x4  }
0x19d: {  	[tilespmem:v1+s25+$0x0] =	vst.idx.msk $0xffff, v3  }
0x19e: {  	v1 =	vld [tilespmem:$0xFCF0]  }
0x19f: {  	v2 =	vld [tilespmem:$0xFE70];
	_ =	sdelay $0x4  }
0x1a0: {  	v3 =	vand.u32 $0xFFFFFF80, v2;
	v1 =	vshll.u32 v1, $0x7  }
0x1a1: {  	v24 =	vand.u32 $0x7F, v2;
	v3 =	vadd.s32 v1, v3  }
0x1a2: {  	v3 =	vor.u32 v24, v3;
	_ =	sdelay $0x1  }
0x1a3: {  	v2 =	vadd.s32 $0x5, v2  }
0x1a4: {  	v25 =	vand.u32 $0xFFFFFF80, v2  }
0x1a5: {  	v2 =	vand.u32 $0x7F, v2;
	v1 =	vadd.s32 v1, v25  }
0x1a6: {  	v1 =	vor.u32 v2, v1;
	v3 =	vld.idx.msk [tilespmem:v3+s24+$0x0], $0xffff;
	_ =	sdelay $0x4  }
0x1a7: {  	[tilespmem:v1+s25+$0x0] =	vst.idx.msk $0xffff, v3  }
0x1a8: {  	v1 =	vld [tilespmem:$0xFD00]  }
0x1a9: {  	v2 =	vld [tilespmem:$0xFE80];
	_ =	sdelay $0x4  }
0x1aa: {  	v3 =	vand.u32 $0xFFFFFF80, v2;
	v1 =	vshll.u32 v1, $0x7  }
0x1ab: {  	v26 =	vand.u32 $0x7F, v2;
	v3 =	vadd.s32 v1, v3  }
0x1ac: {  	v3 =	vor.u32 v26, v3;
	_ =	sdelay $0x1  }
0x1ad: {  	v2 =	vadd.s32 $0x5, v2  }
0x1ae: {  	v27 =	vand.u32 $0xFFFFFF80, v2  }
0x1af: {  	v2 =	vand.u32 $0x7F, v2;
	v1 =	vadd.s32 v1, v27  }
0x1b0: {  	v1 =	vor.u32 v2, v1;
	v3 =	vld.idx.msk [tilespmem:v3+s24+$0x0], $0xffff;
	_ =	sdelay $0x4  }
0x1b1: {  	[tilespmem:v1+s25+$0x0] =	vst.idx.msk $0xffff, v3  }
0x1b2: {  	v1 =	vld [tilespmem:$0xFD10]  }
0x1b3: {  	v2 =	vld [tilespmem:$0xFE90];
	_ =	sdelay $0x4  }
0x1b4: {  	v3 =	vand.u32 $0xFFFFFF80, v2;
	v1 =	vshll.u32 v1, $0x7  }
0x1b5: {  	v28 =	vand.u32 $0x7F, v2;
	v3 =	vadd.s32 v1, v3  }
0x1b6: {  	v3 =	vor.u32 v28, v3;
	_ =	sdelay $0x1  }
0x1b7: {  	v2 =	vadd.s32 $0x5, v2  }
0x1b8: {  	v29 =	vand.u32 $0xFFFFFF80, v2  }
0x1b9: {  	v2 =	vand.u32 $0x7F, v2;
	v1 =	vadd.s32 v1, v29  }
0x1ba: {  	v1 =	vor.u32 v2, v1;
	v3 =	vld.idx.msk [tilespmem:v3+s24+$0x0], $0xffff;
	_ =	sdelay $0x4  }
0x1bb: {  	[tilespmem:v1+s25+$0x0] =	vst.idx.msk $0xffff, v3  }
0x1bc: {  	v1 =	vld [tilespmem:$0xFD20]  }
0x1bd: {  	v2 =	vld [tilespmem:$0xFEA0];
	_ =	sdelay $0x4  }
0x1be: {  	v3 =	vand.u32 $0xFFFFFF80, v2;
	v1 =	vshll.u32 v1, $0x7  }
0x1bf: {  	v30 =	vand.u32 $0x7F, v2;
	v3 =	vadd.s32 v1, v3  }
0x1c0: {  	v3 =	vor.u32 v30, v3;
	_ =	sdelay $0x1  }
0x1c1: {  	v2 =	vadd.s32 $0x5, v2  }
0x1c2: {  	v31 =	vand.u32 $0xFFFFFF80, v2  }
0x1c3: {  	v2 =	vand.u32 $0x7F, v2;
	v1 =	vadd.s32 v1, v31  }
0x1c4: {  	v1 =	vor.u32 v2, v1;
	v3 =	vld.idx.msk [tilespmem:v3+s24+$0x0], $0xffff;
	_ =	sdelay $0x4  }
0x1c5: {  	[tilespmem:v1+s25+$0x0] =	vst.idx.msk $0xffff, v3  }
0x1c6: {  	v1 =	vld [tilespmem:$0xFD30]  }
0x1c7: {  	v2 =	vld [tilespmem:$0xFEB0];
	_ =	sdelay $0x4  }
0x1c8: {  	v3 =	vand.u32 $0xFFFFFF80, v2;
	v1 =	vshll.u32 v1, $0x7  }
0x1c9: {  	v32 =	vand.u32 $0x7F, v2;
	v3 =	vadd.s32 v1, v3  }
0x1ca: {  	v3 =	vor.u32 v32, v3;
	_ =	sdelay $0x1  }
0x1cb: {  	v2 =	vadd.s32 $0x5, v2  }
0x1cc: {  	v33 =	vand.u32 $0xFFFFFF80, v2  }
0x1cd: {  	v2 =	vand.u32 $0x7F, v2;
	v1 =	vadd.s32 v1, v33  }
0x1ce: {  	v1 =	vor.u32 v2, v1;
	v3 =	vld.idx.msk [tilespmem:v3+s24+$0x0], $0xffff;
	_ =	sdelay $0x4  }
0x1cf: {  	[tilespmem:v1+s25+$0x0] =	vst.idx.msk $0xffff, v3  }
0x1d0: {  	v1 =	vld [tilespmem:$0xFF00]  }
0x1d1: {  	v2 =	vld [tilespmem:$0x10000];
	_ =	sdelay $0x4  }
0x1d2: {  	v3 =	vand.u32 $0xFFFFFF80, v2;
	v34 =	vshll.u32 v1, $0x7  }
0x1d3: {  	v35 =	vand.u32 $0x7F, v2;
	v3 =	vadd.s32 v34, v3  }
0x1d4: {  	v3 =	vor.u32 v35, v3;
	_ =	sdelay $0x1  }
0x1d5: {  	v1 =	vmul.u32 $0xA, v1;
	_ =	sdelay $0x1  }
0x1d6: {  	v1 =	vadd.s32 v2, v1  }
0x1d7: {  	v1 =	vshll.u32 v1, $0x7;
	v2 =	vld.idx.msk [tilespmem:v3+s23+$0x0], $0xffff  }
0x1d8: {  	v3 =	vor.u32 $0x4, v1  }
0x1d9: {  	v1 =	vor.u32 $0x3, v1;
	_ =	sdelay $0x2  }
0x1da: {  	vm0 =	vgt.f32 v2, $3.000000120e-01  }
0x1db: {  	[tilespmem:v3+s25+$0x0] =	vst.idx.msk $0xffff, v2;
	v36 =	vsel vm0, $0x0, v0  }
0x1dc: {  	[tilespmem:v1+s25+$0x0] =	vst.idx.msk $0xffff, v36  }
0x1dd: {  	v1 =	vld [tilespmem:$0xFF10]  }
0x1de: {  	v2 =	vld [tilespmem:$0x10010];
	_ =	sdelay $0x4  }
0x1df: {  	v3 =	vand.u32 $0xFFFFFF80, v2;
	v37 =	vshll.u32 v1, $0x7  }
0x1e0: {  	v38 =	vand.u32 $0x7F, v2;
	v3 =	vadd.s32 v37, v3  }
0x1e1: {  	v3 =	vor.u32 v38, v3;
	_ =	sdelay $0x1  }
0x1e2: {  	v1 =	vmul.u32 $0xA, v1;
	_ =	sdelay $0x1  }
0x1e3: {  	v1 =	vadd.s32 v2, v1  }
0x1e4: {  	v1 =	vshll.u32 v1, $0x7;
	v2 =	vld.idx.msk [tilespmem:v3+s23+$0x0], $0xffff  }
0x1e5: {  	v3 =	vor.u32 $0x4, v1  }
0x1e6: {  	v1 =	vor.u32 $0x3, v1;
	_ =	sdelay $0x2  }
0x1e7: {  	vm7 =	vgt.f32 v2, $3.000000120e-01  }
0x1e8: {  	[tilespmem:v3+s25+$0x0] =	vst.idx.msk $0xffff, v2;
	v39 =	vsel vm7, $0x0, v0  }
0x1e9: {  	[tilespmem:v1+s25+$0x0] =	vst.idx.msk $0xffff, v39  }
0x1ea: {  	v1 =	vld [tilespmem:$0xFF20]  }
0x1eb: {  	v2 =	vld [tilespmem:$0x10020];
	_ =	sdelay $0x4  }
0x1ec: {  	v3 =	vand.u32 $0xFFFFFF80, v2;
	v40 =	vshll.u32 v1, $0x7  }
0x1ed: {  	v41 =	vand.u32 $0x7F, v2;
	v3 =	vadd.s32 v40, v3  }
0x1ee: {  	v3 =	vor.u32 v41, v3;
	_ =	sdelay $0x1  }
0x1ef: {  	v1 =	vmul.u32 $0xA, v1;
	_ =	sdelay $0x1  }
0x1f0: {  	v1 =	vadd.s32 v2, v1  }
0x1f1: {  	v1 =	vshll.u32 v1, $0x7;
	v2 =	vld.idx.msk [tilespmem:v3+s23+$0x0], $0xffff  }
0x1f2: {  	v3 =	vor.u32 $0x4, v1  }
0x1f3: {  	v1 =	vor.u32 $0x3, v1;
	_ =	sdelay $0x2  }
0x1f4: {  	vm8 =	vgt.f32 v2, $3.000000120e-01  }
0x1f5: {  	[tilespmem:v3+s25+$0x0] =	vst.idx.msk $0xffff, v2;
	v42 =	vsel vm8, $0x0, v0  }
0x1f6: {  	[tilespmem:v1+s25+$0x0] =	vst.idx.msk $0xffff, v42  }
0x1f7: {  	v1 =	vld [tilespmem:$0xFF30]  }
0x1f8: {  	v2 =	vld [tilespmem:$0x10030];
	_ =	sdelay $0x4  }
0x1f9: {  	v3 =	vand.u32 $0xFFFFFF80, v2;
	v43 =	vshll.u32 v1, $0x7  }
0x1fa: {  	v44 =	vand.u32 $0x7F, v2;
	v3 =	vadd.s32 v43, v3  }
0x1fb: {  	v3 =	vor.u32 v44, v3;
	_ =	sdelay $0x1  }
0x1fc: {  	v1 =	vmul.u32 $0xA, v1;
	_ =	sdelay $0x1  }
0x1fd: {  	v1 =	vadd.s32 v2, v1  }
0x1fe: {  	v1 =	vshll.u32 v1, $0x7;
	v2 =	vld.idx.msk [tilespmem:v3+s23+$0x0], $0xffff  }
0x1ff: {  	v3 =	vor.u32 $0x4, v1  }
0x200: {  	v1 =	vor.u32 $0x3, v1;
	_ =	sdelay $0x2  }
0x201: {  	vm9 =	vgt.f32 v2, $3.000000120e-01  }
0x202: {  	[tilespmem:v3+s25+$0x0] =	vst.idx.msk $0xffff, v2;
	v45 =	vsel vm9, $0x0, v0  }
0x203: {  	[tilespmem:v1+s25+$0x0] =	vst.idx.msk $0xffff, v45  }
0x204: {  	v1 =	vld [tilespmem:$0xFF40]  }
0x205: {  	v2 =	vld [tilespmem:$0x10040];
	_ =	sdelay $0x4  }
0x206: {  	v3 =	vand.u32 $0xFFFFFF80, v2;
	v46 =	vshll.u32 v1, $0x7  }
0x207: {  	v47 =	vand.u32 $0x7F, v2;
	v3 =	vadd.s32 v46, v3  }
0x208: {  	v3 =	vor.u32 v47, v3;
	_ =	sdelay $0x1  }
0x209: {  	v1 =	vmul.u32 $0xA, v1;
	_ =	sdelay $0x1  }
0x20a: {  	v1 =	vadd.s32 v2, v1  }
0x20b: {  	v1 =	vshll.u32 v1, $0x7;
	v2 =	vld.idx.msk [tilespmem:v3+s23+$0x0], $0xffff  }
0x20c: {  	v3 =	vor.u32 $0x4, v1  }
0x20d: {  	v1 =	vor.u32 $0x3, v1;
	_ =	sdelay $0x2  }
0x20e: {  	vm10 =	vgt.f32 v2, $3.000000120e-01  }
0x20f: {  	[tilespmem:v3+s25+$0x0] =	vst.idx.msk $0xffff, v2;
	v48 =	vsel vm10, $0x0, v0  }
0x210: {  	[tilespmem:v1+s25+$0x0] =	vst.idx.msk $0xffff, v48  }
0x211: {  	v1 =	vld [tilespmem:$0xFF50]  }
0x212: {  	v2 =	vld [tilespmem:$0x10050];
	_ =	sdelay $0x4  }
0x213: {  	v3 =	vand.u32 $0xFFFFFF80, v2;
	v49 =	vshll.u32 v1, $0x7  }
0x214: {  	v50 =	vand.u32 $0x7F, v2;
	v3 =	vadd.s32 v49, v3  }
0x215: {  	v3 =	vor.u32 v50, v3;
	_ =	sdelay $0x1  }
0x216: {  	v1 =	vmul.u32 $0xA, v1;
	_ =	sdelay $0x1  }
0x217: {  	v1 =	vadd.s32 v2, v1  }
0x218: {  	v1 =	vshll.u32 v1, $0x7;
	v2 =	vld.idx.msk [tilespmem:v3+s23+$0x0], $0xffff  }
0x219: {  	v3 =	vor.u32 $0x4, v1  }
0x21a: {  	v1 =	vor.u32 $0x3, v1;
	_ =	sdelay $0x2  }
0x21b: {  	vm11 =	vgt.f32 v2, $3.000000120e-01  }
0x21c: {  	[tilespmem:v3+s25+$0x0] =	vst.idx.msk $0xffff, v2;
	v51 =	vsel vm11, $0x0, v0  }
0x21d: {  	[tilespmem:v1+s25+$0x0] =	vst.idx.msk $0xffff, v51  }
0x21e: {  	v1 =	vld [tilespmem:$0xFF60]  }
0x21f: {  	v2 =	vld [tilespmem:$0x10060];
	_ =	sdelay $0x4  }
0x220: {  	v3 =	vand.u32 $0xFFFFFF80, v2;
	v52 =	vshll.u32 v1, $0x7  }
0x221: {  	v53 =	vand.u32 $0x7F, v2;
	v3 =	vadd.s32 v52, v3  }
0x222: {  	v3 =	vor.u32 v53, v3;
	_ =	sdelay $0x1  }
0x223: {  	v1 =	vmul.u32 $0xA, v1;
	_ =	sdelay $0x1  }
0x224: {  	v1 =	vadd.s32 v2, v1  }
0x225: {  	v1 =	vshll.u32 v1, $0x7;
	v2 =	vld.idx.msk [tilespmem:v3+s23+$0x0], $0xffff  }
0x226: {  	v3 =	vor.u32 $0x4, v1  }
0x227: {  	v1 =	vor.u32 $0x3, v1;
	_ =	sdelay $0x2  }
0x228: {  	vm12 =	vgt.f32 v2, $3.000000120e-01  }
0x229: {  	[tilespmem:v3+s25+$0x0] =	vst.idx.msk $0xffff, v2;
	v54 =	vsel vm12, $0x0, v0  }
0x22a: {  	[tilespmem:v1+s25+$0x0] =	vst.idx.msk $0xffff, v54  }
0x22b: {  	v1 =	vld [tilespmem:$0xFF70]  }
0x22c: {  	v2 =	vld [tilespmem:$0x10070];
	_ =	sdelay $0x4  }
0x22d: {  	v3 =	vand.u32 $0xFFFFFF80, v2;
	v55 =	vshll.u32 v1, $0x7  }
0x22e: {  	v56 =	vand.u32 $0x7F, v2;
	v3 =	vadd.s32 v55, v3  }
0x22f: {  	v3 =	vor.u32 v56, v3;
	_ =	sdelay $0x1  }
0x230: {  	v1 =	vmul.u32 $0xA, v1;
	_ =	sdelay $0x1  }
0x231: {  	v1 =	vadd.s32 v2, v1  }
0x232: {  	v1 =	vshll.u32 v1, $0x7;
	v2 =	vld.idx.msk [tilespmem:v3+s23+$0x0], $0xffff  }
0x233: {  	v3 =	vor.u32 $0x4, v1  }
0x234: {  	v1 =	vor.u32 $0x3, v1;
	_ =	sdelay $0x2  }
0x235: {  	vm13 =	vgt.f32 v2, $3.000000120e-01  }
0x236: {  	[tilespmem:v3+s25+$0x0] =	vst.idx.msk $0xffff, v2;
	v57 =	vsel vm13, $0x0, v0  }
0x237: {  	[tilespmem:v1+s25+$0x0] =	vst.idx.msk $0xffff, v57  }
0x238: {  	v1 =	vld [tilespmem:$0xFF80]  }
0x239: {  	v2 =	vld [tilespmem:$0x10080];
	_ =	sdelay $0x4  }
0x23a: {  	v3 =	vand.u32 $0xFFFFFF80, v2;
	v58 =	vshll.u32 v1, $0x7  }
0x23b: {  	v59 =	vand.u32 $0x7F, v2;
	v3 =	vadd.s32 v58, v3  }
0x23c: {  	v3 =	vor.u32 v59, v3;
	_ =	sdelay $0x1  }
0x23d: {  	v1 =	vmul.u32 $0xA, v1;
	_ =	sdelay $0x1  }
0x23e: {  	v1 =	vadd.s32 v2, v1  }
0x23f: {  	v1 =	vshll.u32 v1, $0x7;
	v2 =	vld.idx.msk [tilespmem:v3+s23+$0x0], $0xffff  }
0x240: {  	v3 =	vor.u32 $0x4, v1  }
0x241: {  	v1 =	vor.u32 $0x3, v1;
	_ =	sdelay $0x2  }
0x242: {  	vm14 =	vgt.f32 v2, $3.000000120e-01  }
0x243: {  	[tilespmem:v3+s25+$0x0] =	vst.idx.msk $0xffff, v2;
	v60 =	vsel vm14, $0x0, v0  }
0x244: {  	[tilespmem:v1+s25+$0x0] =	vst.idx.msk $0xffff, v60  }
0x245: {  	v1 =	vld [tilespmem:$0xFF90]  }
0x246: {  	v2 =	vld [tilespmem:$0x10090];
	_ =	sdelay $0x4  }
0x247: {  	v3 =	vand.u32 $0xFFFFFF80, v2;
	v61 =	vshll.u32 v1, $0x7  }
0x248: {  	v62 =	vand.u32 $0x7F, v2;
	v3 =	vadd.s32 v61, v3  }
0x249: {  	v3 =	vor.u32 v62, v3;
	_ =	sdelay $0x1  }
0x24a: {  	v1 =	vmul.u32 $0xA, v1;
	_ =	sdelay $0x1  }
0x24b: {  	v1 =	vadd.s32 v2, v1  }
0x24c: {  	v1 =	vshll.u32 v1, $0x7;
	v2 =	vld.idx.msk [tilespmem:v3+s23+$0x0], $0xffff  }
0x24d: {  	v3 =	vor.u32 $0x4, v1  }
0x24e: {  	v1 =	vor.u32 $0x3, v1;
	_ =	sdelay $0x2  }
0x24f: {  	vm15 =	vgt.f32 v2, $3.000000120e-01  }
0x250: {  	p0 =	sne.s32 s29, $0x7000;
	[tilespmem:v3+s25+$0x0] =	vst.idx.msk $0xffff, v2;
	v63 =	vsel vm15, $0x0, v0  }
.Ltmp0:
0x251: {  	s31 =	sadd.s32 s29, s11;
	[tilespmem:v1+s25+$0x0] =	vst.idx.msk $0xffff, v63;
	(pc) =	sbr.rel @p0 .LBB2_2-.Ltmp0, $4  }
0x252: {  	[hbm4b:s31+s21] =	stream.strided.scatter [tilespmem:s25], [sflag:$0x1], $0x5000, s22, s21, $0x38;
	[tilespmem:$0x10100] =	vst v63  }
0x253: {  	_ =	swait.ge [sflag:s15], $0x5000  }
0x254: {  	[sflag:s15] =	ssyncset.done $0x0  }
0x255: {  	s28 =	sadd.s32 $0x100, s28;
	s29 =	sadd.s32 $0x1000, s29;
	[sflag:s15] =	ssyncadd.s32 $0xFFFFB000  }
0x256: {  	s26 =	sadd.s32 $0x1, s26  }
0x257: {  	p0 =	sne.s32 s26, s9  }
.Ltmp1:
0x258: {  	_ = 	snop;
	(pc) =	sbr.rel @p0 .LBB2_1-.Ltmp1, $1  }
0x259: {  	_ =	sdelay $0x3  }
0x25a: {  	_ =	sfence.sel $0x180000  }
0x25b: {  	[bflag:$0x0] =	sbarrier.arrive $0xFFFF  }
0x25c: {  	p0 =	sne.s32 s1, $0x0;
	_ =	strace $0x90000047  }
0x25d: {  	s0 =	sadd.s32 @!p0 $0x100000, s0;
	[bflag:$0x2] =	sbarrier.arrive $0xFFFF  }
0x25e: {  	[sflag:s0] =	ssyncadd.tile.s32 @!p0 $0x1;
	_ =	shalt  }
.Lfunc_end2:
_tile_overlayer_lowered:
.L_overlay_start_2:
0x25f: {  	(tag) =	ssettag $0x2  }
0x260: {  	s0 =	rddreg [dreg:$0x0];
	s2 =	stileid.u32  }
0x261: {  	s1 =	rddreg [dreg:$0x1];
	p0 =	sne.s32 s2, $0x0  }
0x262: {  	s3 =	rddreg [dreg:$0x2];
	[bflag:$0x3] =	sbarrier.arrive $0xFFFF;
	s2 =	simm.s32 @!p0 $0x1C01  }
0x263: {  	[timem:s3], [sflag:s2] =	dma.local @!p0 [hbm:s0], s1  }
0x264: {  	s0 =	simm.s32 @!p0 $0x1  }
0x265: {  	_ =	swait.ge @!p0 [sflag:s0], s1  }
0x266: {  	s1 =	ssub.s32 @!p0 $0x0, s1;
	[sflag:s0] =	ssyncset.done @!p0 $0x0  }
0x267: {  	[sflag:s0] =	ssyncadd.s32 @!p0 s1  }
0x268: {  	[bflag:$0x3] =	sbarrier.arrive $0xFFFF  }
0x269: {  	_ =	shalt  }

</sc_bundles>
